<compile_context>
chip_gen: v7x
topology: tpu7x:2x2x1
jax: 0.10.2.dev20260603
libtpu: 0.0.44.dev20260713+nightly
codegen_flags: <defaults>
</compile_context>

<pallas_src>
import functools

import jax
import jax.numpy as jnp
import numpy as np
from jax.experimental import pallas as pl
from jax.experimental.pallas import tpu as pltpu

R = 2
KNN = 3
SAMP = 3
NEG_BIG = -1e30


def _body(T, M, flat_ref, xs_ref, xsT_ref, wk_ref, b_ref, x_ref, o_ref,
          ycat_s, ny_s):
    j = pl.program_id(1)

    @pl.when(j == 0)
    def _init():
        xsb = xs_ref[0]
        xsT = xsT_ref[0]
        for k in range(KNN):
            ycat_s[k] = jnp.dot(wk_ref[k], xsb,
                                preferred_element_type=jnp.float32)
        ny = jnp.sum(xsT * xsT, axis=1, keepdims=True)
        ny_s[...] = jnp.broadcast_to(ny, ny_s.shape)

    xt = x_ref[0]
    inner = jnp.dot(xsT_ref[0], xt,
                    preferred_element_type=jnp.float32)
    s = ny_s[:, 0:1] - 2.0 * inner
    pos = j * T + jax.lax.broadcasted_iota(jnp.int32, (M, T), 1)
    s = jnp.where(pos == flat_ref[:, 0:1], NEG_BIG, s)
    sj = s[:, None, :]
    sm = s[None, :, :]
    jj = jax.lax.broadcasted_iota(jnp.int32, (M, M, T), 0)
    mm = jax.lax.broadcasted_iota(jnp.int32, (M, M, T), 1)
    beats = (sj < sm) | ((sj == sm) & (jj < mm))
    rank = jnp.sum(beats.astype(jnp.int32), axis=0)
    acc = jnp.dot(ycat_s[0], (rank == 0).astype(jnp.float32),
                  preferred_element_type=jnp.float32)
    acc = acc + jnp.dot(ycat_s[1], (rank == 1).astype(jnp.float32),
                        preferred_element_type=jnp.float32)
    acc = acc + jnp.dot(ycat_s[2], (rank == 2).astype(jnp.float32),
                        preferred_element_type=jnp.float32)
    o_ref[0] = acc + b_ref[:, 0:1]


def kernel(x, W, b):
    B, C, H, Wsp = x.shape
    H2, W2 = H // R, Wsp // R
    C1 = C * R * R
    N = H2 * W2

    x1 = (x.reshape(B, C, H2, R, W2, R)
           .transpose(0, 1, 3, 5, 2, 4)
           .reshape(B, C1, N))
    x_ind = np.round(np.linspace(0.0, H2 - 1.0, SAMP)).astype(np.int64)
    y_ind = np.round(np.linspace(0.0, W2 - 1.0, SAMP)).astype(np.int64)
    xg, yg = np.meshgrid(x_ind, y_ind, indexing="ij")
    xf, yf = xg.flatten(), yg.flatten()
    tok_idx = (xf * W2 + yf).astype(np.int32)
    flat_np = (xf * H2 + yf).astype(np.int32)
    M = int(tok_idx.size)
    xs = x1[:, :, jnp.asarray(tok_idx)]
    xsT = jnp.swapaxes(xs, 1, 2)
    wk = jnp.transpose(W, (2, 0, 1))
    bcol = b.reshape(C1, 1)
    flat_col = jnp.asarray(flat_np).reshape(M, 1)

    T = next(t for t in (3072, 2048, 1024, 512, 256, 128, N) if N % t == 0)

    grid = (B, N // T)
    out = pl.pallas_call(
        functools.partial(_body, T, M),
        grid=grid,
        in_specs=[
            pl.BlockSpec((M, 1), lambda bb, jj_: (0, 0)),
            pl.BlockSpec((1, C1, M), lambda bb, jj_: (bb, 0, 0)),
            pl.BlockSpec((1, M, C1), lambda bb, jj_: (bb, 0, 0)),
            pl.BlockSpec((KNN, C1, C1), lambda bb, jj_: (0, 0, 0)),
            pl.BlockSpec((C1, 1), lambda bb, jj_: (0, 0)),
            pl.BlockSpec((1, C1, T), lambda bb, jj_: (bb, 0, jj_)),
        ],
        out_specs=pl.BlockSpec((1, C1, T), lambda bb, jj_: (bb, 0, jj_)),
        out_shape=jax.ShapeDtypeStruct((B, C1, N), jnp.float32),
        scratch_shapes=[
            pltpu.VMEM((KNN, C1, M), jnp.float32),
            pltpu.VMEM((M, 128), jnp.float32),
        ],
    )(flat_col, xs, xsT, wk, bcol, x1)

    Co = C1 // (R * R)
    x5 = (out.reshape(B, Co, R, R, H2, W2)
             .transpose(0, 1, 4, 2, 5, 3)
             .reshape(B, Co, H2 * R, W2 * R))
    return x5

# --- scband reference (transcript-rebuilt; emitter-appended) ---
"""Pipeline reference for scband-conv2d-nn-spatial-30743375905092 (READ-ONLY COPY).

The authoritative reference and input builder live on the scoring server;
editing this copy changes nothing except your own understanding.
"""

import jax, jax.numpy as jnp
import numpy as np

B, C_IN, H, W_SP = 2, 96, 384, 384
R = 2            # shuffle_scale
KNN = 3          # K
SAMPLES = 3      # samples per axis -> M = 9 anchors
C1 = C_IN * R * R  # 384 channels after pixel_unshuffle


def setup_inputs(seed: int = 0) -> dict:
    key = jax.random.key(seed)
    k1, k2, k3 = jax.random.split(key, 3)
    x = jax.random.normal(k1, (B, C_IN, H, W_SP), dtype=jnp.float32)
    # Conv1d weights of the inner Conv1d_NN_spatial: kernel_size=K, stride=K
    W = jax.random.normal(k2, (C1, C1, KNN), dtype=jnp.float32) * (1.0 / np.sqrt(C1 * KNN))
    b = jax.random.normal(k3, (C1,), dtype=jnp.float32) * 0.01
    return {"x": x, "W": W, "b": b}


def reference(x, W, b):
    Bs, C, Hh, Ww = x.shape
    H2, W2 = Hh // R, Ww // R
    # pixel_unshuffle (pattern 'BA' -> applied before)
    x1 = x.reshape(Bs, C, H2, R, W2, R).transpose(0, 1, 3, 5, 2, 4).reshape(Bs, C * R * R, H2, W2)
    C1_ = C * R * R
    # spatially uniform anchor sampling (sample_padding=0)
    x_ind = jnp.round(jnp.linspace(0.0, H2 - 1.0, SAMPLES)).astype(jnp.int32)
    y_ind = jnp.round(jnp.linspace(0.0, W2 - 1.0, SAMPLES)).astype(jnp.int32)
    xg, yg = jnp.meshgrid(x_ind, y_ind, indexing='ij')
    xf = xg.flatten()
    yf = yg.flatten()
    width = H2  # original code uses x1.shape[2]
    flat_indices = xf * width + yf  # [M]
    x_sample = x1[:, :, xg, yg].reshape(Bs, C1_, -1)  # [B, C1, M]
    M = x_sample.shape[2]
    x2 = x1.reshape(Bs, C1_, H2 * W2)  # [B, C1, N]
    N = H2 * W2
    # distance matrix between all tokens and sampled anchors (magnitude_type='distance')
    nx = jnp.sum(x2 * x2, axis=1)          # [B, N]
    ny = jnp.sum(x_sample * x_sample, axis=1)  # [B, M]
    inner = jnp.einsum('bcn,bcm->bnm', x2, x_sample)
    dist = nx[:, :, None] + ny[:, None, :] - 2.0 * inner
    dist = jnp.sqrt(jnp.maximum(dist, 0.0))  # [B, N, M]
    # force each sampled token to select itself as its nearest neighbor
    dist = dist.at[:, flat_indices, jnp.arange(M)].set(-jnp.inf)
    # K nearest anchors per token (smallest distance)
    _, idx = jax.lax.top_k(-dist, KNN)  # [B, N, K]
    # gather neighbor features -> [B, C1, N*K]
    idx_b = jnp.broadcast_to(idx[:, None, :, :], (Bs, C1_, N, KNN)).reshape(Bs, C1_, N * KNN)
    nb = jnp.take_along_axis(x_sample, idx_b, axis=2).reshape(Bs, C1_, N, KNN)
    # Conv1d(kernel=K, stride=K, padding=0) over the concatenated neighbors == per-token dense mix
    out = jnp.einsum('ock,bcnk->bon', W, nb) + b[None, :, None]  # [B, C1, N]
    x4 = out.reshape(Bs, C1_, H2, W2)
    # pixel_shuffle (pattern 'BA' -> applied after)
    Co = C1_ // (R * R)
    x5 = x4.reshape(Bs, Co, R, R, H2, W2).transpose(0, 1, 4, 2, 5, 3).reshape(Bs, Co, H2 * R, W2 * R)
    return x5

if __name__ == "__main__":
    import jax
    _d = setup_inputs()
    print(jax.jit(kernel)(*tuple(_d.values())))

</pallas_src>

<mosaic_0001>
module attributes {stable_mosaic.version = 14 : i64} {
  func.func @_body(%arg0: i32, %arg1: i32, %arg2: memref<9x1xi32, #tpu.memory_space<vmem>>, %arg3: memref<1x384x9xf32, #tpu.memory_space<vmem>>, %arg4: memref<1x9x384xf32, #tpu.memory_space<vmem>>, %arg5: memref<3x384x384xf32, #tpu.memory_space<vmem>>, %arg6: memref<384x1xf32, #tpu.memory_space<vmem>>, %arg7: memref<1x384x3072xf32, #tpu.memory_space<vmem>>, %arg8: memref<1x384x3072xf32, #tpu.memory_space<vmem>>, %arg9: memref<3x384x9xf32, #tpu.memory_space<vmem>>, %arg10: memref<9x128xf32, #tpu.memory_space<vmem>>) attributes {dimension_semantics = [#tpu.dimension_semantics<arbitrary>, #tpu.dimension_semantics<arbitrary>], iteration_bounds = array<i64: 2, 12>, scalar_prefetch = 0 : i64, scratch_operands = 2 : i64, tpu.core_type = #tpu.core_type<tc>, window_params = [{pipeline_mode = #tpu.pipeline_mode<synchronous>, transform_indices = @transform_0, window_bounds = array<i64: 9, 1>}, {transform_indices = @transform_1, window_bounds = array<i64: 1, 384, 9>}, {transform_indices = @transform_2, window_bounds = array<i64: 1, 9, 384>}, {pipeline_mode = #tpu.pipeline_mode<synchronous>, transform_indices = @transform_3, window_bounds = array<i64: 3, 384, 384>}, {pipeline_mode = #tpu.pipeline_mode<synchronous>, transform_indices = @transform_4, window_bounds = array<i64: 384, 1>}, {transform_indices = @transform_5, window_bounds = array<i64: 1, 384, 3072>}, {transform_indices = @transform_6, window_bounds = array<i64: 1, 384, 3072>}]} {
    %eq3A = arith.constant 0 : i32
    %eq3A_0 = arith.cmpi eq, %arg1, %eq3A : i32
    %convert_element_type3A = arith.extui %eq3A_0 : i1 to i32
    %cond3A = arith.constant 0 : i32
    %cond3A_1 = arith.cmpi ne, %convert_element_type3A, %cond3A : i32
    scf.if %cond3A_1 {
      %get3A_86 = arith.constant 0 : index
      %get3A_87 = arith.constant 0 : index
      %get3A_88 = arith.constant 0 : index
      %get3A_89 = vector.load %arg3[%get3A_86, %get3A_87, %get3A_88] : memref<1x384x9xf32, #tpu.memory_space<vmem>>, vector<1x384x9xf32>
      %get3A_90 = vector.shape_cast %get3A_89 : vector<1x384x9xf32> to vector<384x9xf32>
      %get3A_91 = arith.constant 0 : index
      %get3A_92 = arith.constant 0 : index
      %get3A_93 = arith.constant 0 : index
      %get3A_94 = vector.load %arg4[%get3A_91, %get3A_92, %get3A_93] : memref<1x9x384xf32, #tpu.memory_space<vmem>>, vector<1x9x384xf32>
      %get3A_95 = vector.shape_cast %get3A_94 : vector<1x9x384xf32> to vector<9x384xf32>
      %get3A_96 = arith.constant 0 : index
      %get3A_97 = arith.constant 0 : index
      %get3A_98 = arith.constant 0 : index
      %get3A_99 = vector.load %arg5[%get3A_96, %get3A_97, %get3A_98] : memref<3x384x384xf32, #tpu.memory_space<vmem>>, vector<1x384x384xf32>
      %get3A_100 = vector.shape_cast %get3A_99 : vector<1x384x384xf32> to vector<384x384xf32>
      %dot_general3A_101 = arith.constant dense<0.000000e+00> : vector<384x9xf32>
      %dot_general3A_102 = tpu.matmul %get3A_100, %get3A_90, %dot_general3A_101 {dimension_numbers = #tpu.dot_dimension_numbers<[1], [0], [0], [1], [0, 0, 1, 1], [], []>, transpose_lhs_hint = false} : vector<384x384xf32>, vector<384x9xf32>, vector<384x9xf32> -> vector<384x9xf32>
      %swap3A_103 = arith.constant 0 : index
      %swap3A_104 = arith.constant 0 : index
      %swap3A_105 = arith.constant 0 : index
      %swap3A_106 = vector.load %arg9[%swap3A_103, %swap3A_104, %swap3A_105] : memref<3x384x9xf32, #tpu.memory_space<vmem>>, vector<1x384x9xf32>
      %swap3A_107 = vector.shape_cast %swap3A_106 : vector<1x384x9xf32> to vector<384x9xf32>
      %swap3A_108 = vector.shape_cast %dot_general3A_102 : vector<384x9xf32> to vector<1x384x9xf32>
      tpu.vector_store %arg9[%swap3A_103, %swap3A_104, %swap3A_105], %swap3A_108 {strides = array<i32>} : memref<3x384x9xf32, #tpu.memory_space<vmem>>, vector<1x384x9xf32>,
      %get3A_109 = arith.constant 1 : index
      %get3A_110 = arith.constant 0 : index
      %get3A_111 = arith.constant 0 : index
      %get3A_112 = vector.load %arg5[%get3A_109, %get3A_110, %get3A_111] : memref<3x384x384xf32, #tpu.memory_space<vmem>>, vector<1x384x384xf32>
      %get3A_113 = vector.shape_cast %get3A_112 : vector<1x384x384xf32> to vector<384x384xf32>
      %dot_general3A_114 = arith.constant dense<0.000000e+00> : vector<384x9xf32>
      %dot_general3A_115 = tpu.matmul %get3A_113, %get3A_90, %dot_general3A_114 {dimension_numbers = #tpu.dot_dimension_numbers<[1], [0], [0], [1], [0, 0, 1, 1], [], []>, transpose_lhs_hint = false} : vector<384x384xf32>, vector<384x9xf32>, vector<384x9xf32> -> vector<384x9xf32>
      %swap3A_116 = arith.constant 1 : index
      %swap3A_117 = arith.constant 0 : index
      %swap3A_118 = arith.constant 0 : index
      %swap3A_119 = vector.load %arg9[%swap3A_116, %swap3A_117, %swap3A_118] : memref<3x384x9xf32, #tpu.memory_space<vmem>>, vector<1x384x9xf32>
      %swap3A_120 = vector.shape_cast %swap3A_119 : vector<1x384x9xf32> to vector<384x9xf32>
      %swap3A_121 = vector.shape_cast %dot_general3A_115 : vector<384x9xf32> to vector<1x384x9xf32>
      tpu.vector_store %arg9[%swap3A_116, %swap3A_117, %swap3A_118], %swap3A_121 {strides = array<i32>} : memref<3x384x9xf32, #tpu.memory_space<vmem>>, vector<1x384x9xf32>,
      %get3A_122 = arith.constant 2 : index
      %get3A_123 = arith.constant 0 : index
      %get3A_124 = arith.constant 0 : index
      %get3A_125 = vector.load %arg5[%get3A_122, %get3A_123, %get3A_124] : memref<3x384x384xf32, #tpu.memory_space<vmem>>, vector<1x384x384xf32>
      %get3A_126 = vector.shape_cast %get3A_125 : vector<1x384x384xf32> to vector<384x384xf32>
      %dot_general3A_127 = arith.constant dense<0.000000e+00> : vector<384x9xf32>
      %dot_general3A_128 = tpu.matmul %get3A_126, %get3A_90, %dot_general3A_127 {dimension_numbers = #tpu.dot_dimension_numbers<[1], [0], [0], [1], [0, 0, 1, 1], [], []>, transpose_lhs_hint = false} : vector<384x384xf32>, vector<384x9xf32>, vector<384x9xf32> -> vector<384x9xf32>
      %swap3A_129 = arith.constant 2 : index
      %swap3A_130 = arith.constant 0 : index
      %swap3A_131 = arith.constant 0 : index
      %swap3A_132 = vector.load %arg9[%swap3A_129, %swap3A_130, %swap3A_131] : memref<3x384x9xf32, #tpu.memory_space<vmem>>, vector<1x384x9xf32>
      %swap3A_133 = vector.shape_cast %swap3A_132 : vector<1x384x9xf32> to vector<384x9xf32>
      %swap3A_134 = vector.shape_cast %dot_general3A_128 : vector<384x9xf32> to vector<1x384x9xf32>
      tpu.vector_store %arg9[%swap3A_129, %swap3A_130, %swap3A_131], %swap3A_134 {strides = array<i32>} : memref<3x384x9xf32, #tpu.memory_space<vmem>>, vector<1x384x9xf32>,
      %mul3A_135 = arith.mulf %get3A_95, %get3A_95 : vector<9x384xf32>
      %reduce_sum3A_136 = arith.constant dense<0.000000e+00> : vector<9xf32>
      %reduce_sum3A_137 = vector.multi_reduction <add>, %mul3A_135, %reduce_sum3A_136 [1] : vector<9x384xf32> to vector<9xf32>
      %broadcast_in_dim3A_138 = vector.shape_cast %reduce_sum3A_137 : vector<9xf32> to vector<9x1xf32>
      %broadcast_in_dim3A_139 = vector.shape_cast %broadcast_in_dim3A_138 : vector<9x1xf32> to vector<9x1xf32>
      %broadcast_in_dim3A_140 = vector.broadcast %broadcast_in_dim3A_139 : vector<9x1xf32> to vector<9x128xf32>
      %swap3A_141 = arith.constant 0 : index
      %swap3A_142 = arith.constant 0 : index
      %swap3A_143 = vector.load %arg10[%swap3A_141, %swap3A_142] : memref<9x128xf32, #tpu.memory_space<vmem>>, vector<9x128xf32>
      tpu.vector_store %arg10[%swap3A_141, %swap3A_142], %broadcast_in_dim3A_140 {strides = array<i32>} : memref<9x128xf32, #tpu.memory_space<vmem>>, vector<9x128xf32>,
    } else {
    }
    %get3A = arith.constant 0 : index
    %get3A_2 = arith.constant 0 : index
    %get3A_3 = arith.constant 0 : index
    %get3A_4 = vector.load %arg7[%get3A, %get3A_2, %get3A_3] : memref<1x384x3072xf32, #tpu.memory_space<vmem>>, vector<1x384x3072xf32>
    %get3A_5 = vector.shape_cast %get3A_4 : vector<1x384x3072xf32> to vector<384x3072xf32>
    %get3A_6 = arith.constant 0 : index
    %get3A_7 = arith.constant 0 : index
    %get3A_8 = arith.constant 0 : index
    %get3A_9 = vector.load %arg4[%get3A_6, %get3A_7, %get3A_8] : memref<1x9x384xf32, #tpu.memory_space<vmem>>, vector<1x9x384xf32>
    %get3A_10 = vector.shape_cast %get3A_9 : vector<1x9x384xf32> to vector<9x384xf32>
    %dot_general3A = arith.constant dense<0.000000e+00> : vector<9x3072xf32>
    %dot_general3A_11 = tpu.matmul %get3A_10, %get3A_5, %dot_general3A {dimension_numbers = #tpu.dot_dimension_numbers<[1], [0], [0], [1], [0, 0, 1, 1], [], []>, transpose_lhs_hint = false} : vector<9x384xf32>, vector<384x3072xf32>, vector<9x3072xf32> -> vector<9x3072xf32>
    %get3A_12 = arith.constant 0 : index
    %get3A_13 = arith.constant 0 : index
    %get3A_14 = vector.load %arg10[%get3A_12, %get3A_13] : memref<9x128xf32, #tpu.memory_space<vmem>>, vector<9x1xf32>
    %mul3A = arith.constant 2.000000e+00 : f32
    %mul3A_15 = vector.broadcast %mul3A : f32 to vector<9x3072xf32>
    %mul3A_16 = arith.mulf %mul3A_15, %dot_general3A_11 : vector<9x3072xf32>
    %sub3A = vector.broadcast %get3A_14 : vector<9x1xf32> to vector<9x3072xf32>
    %sub3A_17 = arith.subf %sub3A, %mul3A_16 : vector<9x3072xf32>
    %mul3A_18 = arith.constant 3072 : i32
    %mul3A_19 = arith.muli %arg1, %mul3A_18 : i32
    %iota3A = tpu.iota {dimensions = array<i32: 1>} : vector<9x3072xi32>
    %add3A = vector.broadcast %mul3A_19 : i32 to vector<9x3072xi32>
    %add3A_20 = arith.addi %add3A, %iota3A : vector<9x3072xi32>
    %get3A_21 = arith.constant 0 : index
    %get3A_22 = arith.constant 0 : index
    %get3A_23 = vector.load %arg2[%get3A_21, %get3A_22] : memref<9x1xi32, #tpu.memory_space<vmem>>, vector<9x1xi32>
    %eq3A_24 = vector.broadcast %get3A_23 : vector<9x1xi32> to vector<9x3072xi32>
    %eq3A_25 = arith.cmpi eq, %add3A_20, %eq3A_24 : vector<9x3072xi32>
    %jit3A = arith.constant -1.000000e+30 : f32
    %broadcast_in_dim3A = vector.broadcast %jit3A : f32 to vector<9x3072xf32>
    %select_n3A = arith.select %eq3A_25, %broadcast_in_dim3A, %sub3A_17 : vector<9x3072xi1>, vector<9x3072xf32>
    %broadcast_in_dim3A_26 = vector.shape_cast %select_n3A : vector<9x3072xf32> to vector<9x1x3072xf32>
    %broadcast_in_dim3A_27 = vector.shape_cast %select_n3A : vector<9x3072xf32> to vector<1x9x3072xf32>
    %iota3A_28 = tpu.iota {dimensions = array<i32: 0>} : vector<9x9x3072xi32>
    %iota3A_29 = tpu.iota {dimensions = array<i32: 1>} : vector<9x9x3072xi32>
    %lt3A = vector.broadcast %broadcast_in_dim3A_26 : vector<9x1x3072xf32> to vector<9x9x3072xf32>
    %lt3A_30 = vector.broadcast %broadcast_in_dim3A_27 : vector<1x9x3072xf32> to vector<9x9x3072xf32>
    %lt3A_31 = arith.cmpf olt, %lt3A, %lt3A_30 : vector<9x9x3072xf32>
    %eq3A_32 = vector.broadcast %broadcast_in_dim3A_26 : vector<9x1x3072xf32> to vector<9x9x3072xf32>
    %eq3A_33 = vector.broadcast %broadcast_in_dim3A_27 : vector<1x9x3072xf32> to vector<9x9x3072xf32>
    %eq3A_34 = arith.cmpf oeq, %eq3A_32, %eq3A_33 : vector<9x9x3072xf32>
    %lt3A_35 = arith.cmpi slt, %iota3A_28, %iota3A_29 : vector<9x9x3072xi32>
    %and3A = arith.andi %eq3A_34, %lt3A_35 : vector<9x9x3072xi1>
    %or3A = arith.ori %lt3A_31, %and3A : vector<9x9x3072xi1>
    %convert_element_type3A_36 = arith.extui %or3A : vector<9x9x3072xi1> to vector<9x9x3072xi32>
    %reduce_sum3A = arith.constant dense<0> : vector<9x3072xi32>
    %reduce_sum3A_37 = vector.multi_reduction <add>, %convert_element_type3A_36, %reduce_sum3A [0] : vector<9x9x3072xi32> to vector<9x3072xi32>
    %get3A_38 = arith.constant 0 : index
    %get3A_39 = arith.constant 0 : index
    %get3A_40 = arith.constant 0 : index
    %get3A_41 = vector.load %arg9[%get3A_38, %get3A_39, %get3A_40] : memref<3x384x9xf32, #tpu.memory_space<vmem>>, vector<1x384x9xf32>
    %get3A_42 = vector.shape_cast %get3A_41 : vector<1x384x9xf32> to vector<384x9xf32>
    %eq3A_43 = arith.constant 0 : i32
    %eq3A_44 = vector.broadcast %eq3A_43 : i32 to vector<9x3072xi32>
    %eq3A_45 = arith.cmpi eq, %reduce_sum3A_37, %eq3A_44 : vector<9x3072xi32>
    %convert_element_type3A_46 = arith.extui %eq3A_45 : vector<9x3072xi1> to vector<9x3072xi32>
    %convert_element_type3A_47 = arith.sitofp %convert_element_type3A_46 : vector<9x3072xi32> to vector<9x3072xf32>
    %dot_general3A_48 = arith.constant dense<0.000000e+00> : vector<384x3072xf32>
    %dot_general3A_49 = tpu.matmul %get3A_42, %convert_element_type3A_47, %dot_general3A_48 {dimension_numbers = #tpu.dot_dimension_numbers<[1], [0], [0], [1], [0, 0, 1, 1], [], []>, transpose_lhs_hint = false} : vector<384x9xf32>, vector<9x3072xf32>, vector<384x3072xf32> -> vector<384x3072xf32>
    %get3A_50 = arith.constant 1 : index
    %get3A_51 = arith.constant 0 : index
    %get3A_52 = arith.constant 0 : index
    %get3A_53 = vector.load %arg9[%get3A_50, %get3A_51, %get3A_52] : memref<3x384x9xf32, #tpu.memory_space<vmem>>, vector<1x384x9xf32>
    %get3A_54 = vector.shape_cast %get3A_53 : vector<1x384x9xf32> to vector<384x9xf32>
    %eq3A_55 = arith.constant 1 : i32
    %eq3A_56 = vector.broadcast %eq3A_55 : i32 to vector<9x3072xi32>
    %eq3A_57 = arith.cmpi eq, %reduce_sum3A_37, %eq3A_56 : vector<9x3072xi32>
    %convert_element_type3A_58 = arith.extui %eq3A_57 : vector<9x3072xi1> to vector<9x3072xi32>
    %convert_element_type3A_59 = arith.sitofp %convert_element_type3A_58 : vector<9x3072xi32> to vector<9x3072xf32>
    %dot_general3A_60 = arith.constant dense<0.000000e+00> : vector<384x3072xf32>
    %dot_general3A_61 = tpu.matmul %get3A_54, %convert_element_type3A_59, %dot_general3A_60 {dimension_numbers = #tpu.dot_dimension_numbers<[1], [0], [0], [1], [0, 0, 1, 1], [], []>, transpose_lhs_hint = false} : vector<384x9xf32>, vector<9x3072xf32>, vector<384x3072xf32> -> vector<384x3072xf32>
    %add3A_62 = arith.addf %dot_general3A_49, %dot_general3A_61 : vector<384x3072xf32>
    %get3A_63 = arith.constant 2 : index
    %get3A_64 = arith.constant 0 : index
    %get3A_65 = arith.constant 0 : index
    %get3A_66 = vector.load %arg9[%get3A_63, %get3A_64, %get3A_65] : memref<3x384x9xf32, #tpu.memory_space<vmem>>, vector<1x384x9xf32>
    %get3A_67 = vector.shape_cast %get3A_66 : vector<1x384x9xf32> to vector<384x9xf32>
    %eq3A_68 = arith.constant 2 : i32
    %eq3A_69 = vector.broadcast %eq3A_68 : i32 to vector<9x3072xi32>
    %eq3A_70 = arith.cmpi eq, %reduce_sum3A_37, %eq3A_69 : vector<9x3072xi32>
    %convert_element_type3A_71 = arith.extui %eq3A_70 : vector<9x3072xi1> to vector<9x3072xi32>
    %convert_element_type3A_72 = arith.sitofp %convert_element_type3A_71 : vector<9x3072xi32> to vector<9x3072xf32>
    %dot_general3A_73 = arith.constant dense<0.000000e+00> : vector<384x3072xf32>
    %dot_general3A_74 = tpu.matmul %get3A_67, %convert_element_type3A_72, %dot_general3A_73 {dimension_numbers = #tpu.dot_dimension_numbers<[1], [0], [0], [1], [0, 0, 1, 1], [], []>, transpose_lhs_hint = false} : vector<384x9xf32>, vector<9x3072xf32>, vector<384x3072xf32> -> vector<384x3072xf32>
    %add3A_75 = arith.addf %add3A_62, %dot_general3A_74 : vector<384x3072xf32>
    %get3A_76 = arith.constant 0 : index
    %get3A_77 = arith.constant 0 : index
    %get3A_78 = vector.load %arg6[%get3A_76, %get3A_77] : memref<384x1xf32, #tpu.memory_space<vmem>>, vector<384x1xf32>
    %add3A_79 = vector.broadcast %get3A_78 : vector<384x1xf32> to vector<384x3072xf32>
    %add3A_80 = arith.addf %add3A_75, %add3A_79 : vector<384x3072xf32>
    %swap3A = arith.constant 0 : index
    %swap3A_81 = arith.constant 0 : index
    %swap3A_82 = arith.constant 0 : index
    %swap3A_83 = vector.load %arg8[%swap3A, %swap3A_81, %swap3A_82] : memref<1x384x3072xf32, #tpu.memory_space<vmem>>, vector<1x384x3072xf32>
    %swap3A_84 = vector.shape_cast %swap3A_83 : vector<1x384x3072xf32> to vector<384x3072xf32>
    %swap3A_85 = vector.shape_cast %add3A_80 : vector<384x3072xf32> to vector<1x384x3072xf32>
    tpu.vector_store %arg8[%swap3A, %swap3A_81, %swap3A_82], %swap3A_85 {strides = array<i32>} : memref<1x384x3072xf32, #tpu.memory_space<vmem>>, vector<1x384x3072xf32>,
    return
  }
  func.func @transform_0(%arg0: i32, %arg1: i32) -> (i32, i32) {
    %c0_i32 = arith.constant 0 : i32
    %c0_i32_0 = arith.constant 0 : i32
    %c0_i32_1 = arith.constant 0 : i32
    return %c0_i32, %c0_i32_0 : i32, i32
  }
  func.func @transform_1(%arg0: i32, %arg1: i32) -> (i32, i32, i32) {
    %c0_i32 = arith.constant 0 : i32
    %c0_i32_0 = arith.constant 0 : i32
    %c0_i32_1 = arith.constant 0 : i32
    return %arg0, %c0_i32, %c0_i32_0 : i32, i32, i32
  }
  func.func @transform_2(%arg0: i32, %arg1: i32) -> (i32, i32, i32) {
    %c0_i32 = arith.constant 0 : i32
    %c0_i32_0 = arith.constant 0 : i32
    %c0_i32_1 = arith.constant 0 : i32
    return %arg0, %c0_i32, %c0_i32_0 : i32, i32, i32
  }
  func.func @transform_3(%arg0: i32, %arg1: i32) -> (i32, i32, i32) {
    %c0_i32 = arith.constant 0 : i32
    %c0_i32_0 = arith.constant 0 : i32
    %c0_i32_1 = arith.constant 0 : i32
    %c0_i32_2 = arith.constant 0 : i32
    return %c0_i32, %c0_i32_0, %c0_i32_1 : i32, i32, i32
  }
  func.func @transform_4(%arg0: i32, %arg1: i32) -> (i32, i32) {
    %c0_i32 = arith.constant 0 : i32
    %c0_i32_0 = arith.constant 0 : i32
    %c0_i32_1 = arith.constant 0 : i32
    return %c0_i32, %c0_i32_0 : i32, i32
  }
  func.func @transform_5(%arg0: i32, %arg1: i32) -> (i32, i32, i32) {
    %c0_i32 = arith.constant 0 : i32
    %c0_i32_0 = arith.constant 0 : i32
    return %arg0, %c0_i32, %arg1 : i32, i32, i32
  }
  func.func @transform_6(%arg0: i32, %arg1: i32) -> (i32, i32, i32) {
    %c0_i32 = arith.constant 0 : i32
    %c0_i32_0 = arith.constant 0 : i32
    return %arg0, %c0_i32, %arg1 : i32, i32, i32
  }
}

</mosaic_0001>

<sc_bundles>
// kernel: sparse-core-data-format-call.1.cloned.1.call-start
scs
called_computation.1_lowered:
.L_overlay_start_0:
0x0: {  	s1 =	sld [smem:$0x3FD9]  }
0x1: {  	s2 =	sld [smem:$0x3FFE];
	_ =	sdelay $0x1  }
0x2: {  	s3 =	srdreg.scid  }
0x3: {  	s0 =	sand.u32 $0x1, s3  }
0x4: {  	s17 =	sshll.u32 s0, $0xA;
	s1 =	sadd.s32 s2, s1  }
0x5: {  	s1 =	sadd.s32 s1, s17  }
0x6: {  	[smem:$0x3FC5] =	sst s1  }
0x7: {  	_ = 	snop  }
0x8: {  	(tm) =	ssettm $0x1  }
0x9: {  	s18 =	sld [smem:$0x3FFB];
	_ =	sdelay $0x3  }
0xa: {  	_ =	strace s18  }
0xb: {  	s1 =	sld [smem:$0x3FFC];
	_ =	sdelay $0x3  }
0xc: {  	_ =	strace s1  }
0xd: {  	s1 =	sld [smem:$0x3FFD];
	_ =	sdelay $0x3  }
0xe: {  	_ =	strace s1  }
0xf: {  	_ =	strace $0x8FFFFFFF  }
0x10: {  	s19 =	sld [smem:$0x3FDB];
	_ =	sdelay $0x1  }
0x11: {  	s20 =	simm.s32 $_scs_section_size  }
0x12: {  	s4 =	simm.s32 $_size__tile_overlayer_lowered;
	s5 =	simm.s32 $_tile_overlayer_lowered  }
0x13: {  	s23 =	simm.s32 $0x1BFF;
	s22 =	sshll.u32 s5, $0x1;
	s1 =	sadd.s32 s20, s19  }
0x14: {  	s6 =	simm.s32 $0x0;
	s21 =	sshll.u32 s4, $0x1;
	s4 =	sadd.s32 s22, s1  }
0x15: {  	[timem:s6], [sflag:s23] =	dma.local [hbm:s4], s21  }
0x16: {  	_ =	swait.ge [sflag:s23], s21  }
0x17: {  	s2 =	ssub.s32 $0x0, s21;
	[sflag:s23] =	ssyncset.done $0x0  }
0x18: {  	[sflag:s23] =	ssyncadd.s32 s2;
	_ =	sdelay $0x1  }
0x19: {  	s24 =	simm.s32 $0x1B8B  }
0x1a: {  	_ =	swait.ge [sflag:s24], $0x1  }
0x1b: {  	[sflag:s24] =	ssyncset.done $0x0  }
0x1c: {  	s26 =	simm.s32 $0x1B8E;
	s25 =	sld [smem:$0x3FFE];
	[sflag:s24] =	ssyncadd.s32 $0xFFFFFFFF  }
0x1d: {  	s27 =	simm.s32 $execute0_lowered;
	[smem:$0x3FD2] =	sst s26  }
0x1e: {  	s4 =	sshll.u32 s27, $0x1;
	_ =	strace $0x8000004C;
	[dreg:$0x1] =	wrdreg $0xFFFFFFFF  }
0x1f: {  	s28 =	simm.s32 $_size_execute0_lowered;
	s1 =	sadd.s32 s1, s4;
	[dreg:$0x0] =	wrdreg $0x0  }
0x20: {  	s4 =	sshll.u32 s28, $0x1;
	[dreg:$0x2] =	wrdreg s1  }
0x21: {  	[dreg:$0x3] =	wrdreg s4  }
0x22: {  	[dreg:$0x4] =	wrdreg $0xC0  }
0x23: {  	_ =	task [dreg:s6], $0x5FFFF  }
0x24: {  	[dreg:$0x1] =	wrdreg $0xFFFFFFFF  }
0x25: {  	[dreg:$0x0] =	wrdreg $0x60  }
0x26: {  	[dreg:$0x2] =	wrdreg s25  }
0x27: {  	[dreg:$0x3] =	wrdreg $0x9  }
0x28: {  	_ =	task.clear_ibuf [dreg:s6], $0x4FFFF;
	_ =	strace $0x9000004C  }
0x29: {  	s29 =	simm.s32 $0x9;
	_ =	strace $0x8000004E  }
0x2a: {  	_ =	swait.ge [sflag:s29], $0x1  }
0x2b: {  	[sflag:s29] =	ssyncadd.s32 $0xFFFFFFFF  }
0x2c: {  	_ =	strace $0x9000004E  }
0x2d: {  	_ =	sfence  }
0x2e: {  	s30 =	sld [smem:$0x0];
	_ =	sdelay $0x2  }
0x2f: {  	s31 =	sshll.u32 s3, $0xD;
	s3 =	sshrl.u32 s3, $0x2  }
0x30: {  	s2 =	sand.u32 $0x4000, s31;
	s1 =	sadd.s32 s3, s30  }
0x31: {  	s0 =	sor.u32 s2, s0;
	s1 =	sshll.u32 s1, $0x11  }
0x32: {  	s0 =	sor.u32 s1, s0  }
0x33: {  	s0 =	sadd.s32 $0x8F2B, s0  }
0x34: {  	[sflag:s0] =	ssyncadd.remote.s32 $0x1  }
0x35: {  	_ =	sfence.sel $0xFFFF  }
0x36: {  	[dreg:$0x0] =	wrdreg $0xFFFFFFFF;
	(pc) =	sbr.abs _section_cstart, $3  }
0x37: {  	[dreg:$0x1] =	wrdreg $0xFFFFFFFF  }
0x38: {  	_ =	task.clear_ibuf [dreg:s6], $0x2FFFF;
	_ =	strace $0x9FFFFFFF  }
0x39: {  	(tm) =	ssettm $0x7FFFFFFF  }
tec
execute0_lowered:
.L_overlay_start_1:
0x0: {  	(tag) =	ssettag $0x1  }
0x1: {  	s5 =	stileid.u32  }
0x2: {  	s0 =	rddreg [dreg:$0x0];
	_ =	strace $0x8000004D;
	s21 =	srdreg.scid  }
0x3: {  	s24 =	simm.s32 $0x1;
	s25 =	simm.s32 $0x2;
	s30 =	simm.s32 $0x0  }
0x4: {  	p0 =	por $0x0, $0x0;
	s11 =	simm.s32 $0x0;
	s28 =	simm.s32 $0x0  }
0x5: {  	s31 =	simm.s32 $0x0;
	s29 =	simm.s32 $0x0;
	s8 =	simm.s32 $0x0  }
0x6: {  	s9 =	sand.u32 $0x1, s5;
	s1 =	sshrl.u32 s5, $0x1;
	s15 =	sshrl.u32 s5, $0x2  }
0x7: {  	s22 =	sadd.s32 $0x361800, s0;
	s0 =	sadd.s32 $0x7E1800, s0;
	s23 =	sshll.u32 s21, $0x4  }
0x8: {  	[sflag:s24] =	ssyncpa.u1 $0x0;
	s21 =	simm.s32 $0x0;
	s10 =	sand.u32 $0x1, s1  }
0x9: {  	s2 =	ssub.s32 $0x2, s9;
	s14 =	sand.u32 $0x1, s15;
	[dreg:$0x5] =	wrdreg s22  }
0xa: {  	[dreg:$0x6] =	wrdreg s0;
	s0 =	sand.u32 $0x10, s23;
	[sflag:s25] =	ssyncpa.u1 $0x0  }
0xb: {  	s15 =	simm.s32 $0x0;
	s27 =	smov.u32 s9;
	s25 =	simm.s32 $0x0  }
0xc: {  	[dreg:$0x2] =	wrdreg s9;
	s16 =	sshrl.u32 s2, $0x1;
	s3 =	ssub.s32 $0x2, s10  }
0xd: {  	s2 =	sand.u32 $0x1, s2;
	s4 =	sshrl.u32 s3, $0x1;
	s3 =	sand.u32 $0x1, s3  }
0xe: {  	s18 =	ssub.s32 $0x2, s14;
	s1 =	sadd.s32 s2, s16;
	s17 =	sadd.s32 s3, s4  }
0xf: {  	s19 =	sshrl.u32 s18, $0x1;
	s3 =	sand.u32 $0x1, s18;
	s1 =	smul.u32 s17, s1  }
0x10: {  	s0 =	sor.u32 s5, s0;
	s23 =	smov.u32 s14;
	s20 =	sadd.s32 s3, s19  }
0x11: {  	s24 =	smov.u32 s10;
	[dreg:$0x3] =	wrdreg s10;
	s1 =	smul.u32 s20, s1  }
.Ltmp0:
0x12: {  	[dreg:$0x4] =	wrdreg s14;
	s13 =	sshrl.u32 s0, $0x3;
	(pc) =	sbr.rel .LBB1_1-.Ltmp0, $4  }
0x13: {  	s16 =	simm.s32 $0x0;
	s18 =	simm.s32 $0x0;
	s12 =	smul.u32 $0x60, s1  }
0x14: {  	s22 =	smov.u32 s13;
	[dreg:$0x8] =	wrdreg s13;
	s17 =	simm.s32 $0x0  }
0x15: {  	s19 =	simm.s32 $0x0;
	s26 =	sor.u32 $0x1, s12;
	[dreg:$0x7] =	wrdreg s12  }
0x16: {  	s20 =	simm.s32 $0x0;
	[dreg:$0x9] =	wrdreg s26;
	s26 =	simm.s32 $0x0  }
.LBB1_23:
0x17: {  	s19 =	rddreg [dreg:$0xe]  }
0x18: {  	s1 =	rddreg [dreg:$0x1c]  }
0x19: {  	s8 =	rddreg [dreg:$0x1f]  }
0x1a: {  	s15 =	rddreg [dreg:$0xa]  }
0x1b: {  	s2 =	rddreg [dreg:$0x1e]  }
0x1c: {  	s9 =	sld [smem:$0x7FD]  }
0x1d: {  	s3 =	sld [smem:$0x7FB]  }
0x1e: {  	s4 =	sld [smem:$0x7FC]  }
0x1f: {  	s20 =	rddreg [dreg:$0xf]  }
0x20: {  	s18 =	rddreg [dreg:$0xd]  }
0x21: {  	s5 =	rddreg [dreg:$0x6]  }
0x22: {  	s16 =	rddreg [dreg:$0xb]  }
0x23: {  	s17 =	rddreg [dreg:$0xc]  }
0x24: {  	s27 =	rddreg [dreg:$0x15]  }
0x25: {  	s28 =	rddreg [dreg:$0x16]  }
0x26: {  	s29 =	rddreg [dreg:$0x17]  }
0x27: {  	s26 =	simm.s32 $0x100;
	s30 =	rddreg [dreg:$0x18]  }
0x28: {  	p1 =	sgt.s32 s19, $0x0;
	s0 =	smov.u32 s19;
	s10 =	smul.u32 $0x240000, s20  }
0x29: {  	s31 =	rddreg [dreg:$0x19];
	s11 =	smul.u32 $0x1800, s18;
	s0 =	simm.s32 @!p1 $0x0  }
0x2a: {  	s12 =	sshrl.u32 s19, $0x3;
	s13 =	smul.u32 $0x3000, s16;
	s0 =	sadd.s32 s0, s1  }
0x2b: {  	s14 =	sshll.u32 s17, $0x4;
	p1 =	sgt.s32 s0, $0x7F;
	s0 =	ssub.s32 $0x80, s0  }
0x2c: {  	s22 =	sand.u32 $0x7, s19;
	s21 =	sand.u32 $0x10, s14;
	s0 =	simm.s32 @p1 $0x0  }
0x2d: {  	s1 =	smov.u32 s15;
	p1 =	sgt.s32 s15, $0x40;
	s0 =	smul.u32 s0, s8  }
0x2e: {  	s24 =	sshll.u32 s22, $0x12;
	s14 =	rddreg [dreg:$0x4];
	s1 =	simm.s32 @!p1 $0x40  }
0x2f: {  	s22 =	rddreg [dreg:$0x11];
	s1 =	sadd.s32 s3, s1;
	s0 =	smul.u32 s2, s0  }
0x30: {  	s8 =	rddreg [dreg:$0x1b];
	s2 =	smul.u32 $0x4080, s9;
	s3 =	sadd.s32 $0xFFFFFFC0, s1  }
0x31: {  	s1 =	ssub.s32 $0xC0, s1;
	s9 =	rddreg [dreg:$0x2];
	p1 =	sgt.s32 s3, $0x7F  }
0x32: {  	s3 =	sadd.s32 s5, s10;
	s10 =	rddreg [dreg:$0x3];
	s0 =	smul.u32 s4, s0  }
0x33: {  	s1 =	simm.s32 @p1 $0x0;
	s3 =	sadd.s32 s11, s3;
	s11 =	rddreg [dreg:$0x1a]  }
0x34: {  	s0 =	smul.u32 s1, s0;
	s1 =	sand.u32 $0xF, s12;
	s12 =	rddreg [dreg:$0x7]  }
0x35: {  	s1 =	sadd.s32 s1, s3;
	s3 =	sor.u32 $0x80, s24;
	s24 =	rddreg [dreg:$0x13]  }
0x36: {  	s23 =	sshll.u32 s15, $0x5;
	s1 =	sadd.s32 s13, s1;
	s13 =	rddreg [dreg:$0x8]  }
0x37: {  	s2 =	sor.u32 $0x8000, s2;
	s1 =	sadd.s32 s21, s1;
	s21 =	rddreg [dreg:$0x10]  }
0x38: {  	s0 =	sand.u32 $0x3FFFFFFF, s0;
	s1 =	sadd.s32 s23, s1;
	s23 =	rddreg [dreg:$0x12]  }
0x39: {  	[hbm4b:s1+s3] =	stream.strided.scatter [tilespmem:s2], [sflag:$0x2], s0, s26, s3, $0x20;
	[tilespmem:$0x10100] =	vst v63  }
0x3a: {  	s26 =	rddreg [dreg:$0x14]  }
.LBB1_24:
0x3b: {  	p1 =	slt.u32 s25, $0x2;
	s1 =	smov.u32 s8;
	s3 =	smov.u32 s31  }
0x3c: {  	s5 =	smov.u32 s28;
	s7 =	smov.u32 s22;
	p0 =	por !p0, !p0  }
0x3d: {  	p2 =	sgt.s32 @!p1 s8, $0x1;
	s0 =	sshra.s32 @!p1 s8, $0x1F;
	s2 =	sshra.s32 @!p1 s11, $0x1F  }
0x3e: {  	s4 =	sshra.s32 @!p1 s30, $0x1F;
	s6 =	sshra.s32 @!p1 s28, $0x1F;
	p2 =	por !p2, p1  }
0x3f: {  	s0 =	sand.u32 @!p1 s0, s8;
	s2 =	sand.u32 @!p1 s2, s11;
	s4 =	sand.u32 @!p1 s4, s30  }
0x40: {  	s6 =	sand.u32 @!p1 s6, s28;
	s8 =	smov.u32 s20;
	s1 =	simm.s32 @p2 $0x1  }
0x41: {  	s0 =	sxor.u32 @!p1 $0xFFFFFFFF, s0;
	p2 =	sgt.s32 @!p1 s11, $0xBF;
	s6 =	sxor.u32 @!p1 $0xFFFFFFFF, s6  }
0x42: {  	s0 =	sadd.s32 @!p1 s0, s1;
	p2 =	por !p2, p1;
	s1 =	smov.u32 s11  }
0x43: {  	s11 =	smov.u32 s16;
	s16 =	smov.u32 s22;
	s1 =	simm.s32 @p2 $0xBF  }
0x44: {  	p3 =	sgt.s32 @!p1 s0, $0x0;
	s0 =	ssub.s32 @!p1 $0x1, s0;
	s1 =	ssub.s32 @!p1 s1, s2  }
0x45: {  	p2 =	por !p3, p1;
	p3 =	sgt.s32 @!p1 s31, $0x1;
	s2 =	sadd.s32 @!p1 $0xFFFFFF41, s1  }
0x46: {  	s0 =	simm.s32 @!p2 $0x0;
	p3 =	por !p3, p1;
	p2 =	sgt.s32 @!p1 s2, $0x0  }
0x47: {  	s2 =	sshra.s32 @!p1 s31, $0x1F;
	s3 =	simm.s32 @p3 $0x1;
	p3 =	sgt.s32 @!p1 s30, $0x40  }
0x48: {  	s1 =	ssub.s32 @!p1 $0xC0, s1;
	s2 =	sand.u32 @!p1 s2, s31;
	p3 =	por !p3, p1  }
0x49: {  	p2 =	por !p2, p1;
	s31 =	smov.u32 s18;
	s2 =	sxor.u32 @!p1 $0xFFFFFFFF, s2  }
0x4a: {  	s18 =	smov.u32 s24;
	s2 =	sadd.s32 @!p1 s2, s3;
	s3 =	smov.u32 s30  }
0x4b: {  	s1 =	simm.s32 @!p2 $0x0;
	s3 =	simm.s32 @p3 $0x40;
	p2 =	sgt.s32 @!p1 s2, $0x0  }
0x4c: {  	s2 =	ssub.s32 @!p1 $0x1, s2;
	p3 =	sgt.s32 @!p1 s28, $0x1;
	s3 =	ssub.s32 @!p1 s3, s4  }
0x4d: {  	p2 =	por !p2, p1;
	p3 =	por !p3, p1;
	s4 =	sadd.s32 @!p1 $0xFFFFFFC0, s3  }
0x4e: {  	s2 =	simm.s32 @!p2 $0x0;
	p2 =	sgt.s32 @!p1 s4, $0x7F;
	s4 =	ssub.s32 @!p1 $0x0, s29  }
0x4f: {  	s30 =	smov.u32 s15;
	s5 =	simm.s32 @p3 $0x1;
	s4 =	smin.u32 @!p1 s29, s4  }
0x50: {  	s3 =	ssub.s32 @!p1 $0xC0, s3;
	s5 =	sadd.s32 @!p1 s6, s5;
	p3 =	sgt.s32 @!p1 s4, $0x7F  }
0x51: {  	p2 =	por !p2, p1;
	s4 =	ssub.s32 @!p1 $0x80, s4;
	p3 =	por !p3, p1  }
0x52: {  	s6 =	sadd.s32 $0x4, s22;
	s3 =	simm.s32 @!p2 $0x0;
	s4 =	simm.s32 @!p3 $0x0  }
0x53: {  	p2 =	sgt.s32 @!p1 s5, $0x0;
	s0 =	smul.u32 @!p1 s0, s4;
	s4 =	sadd.s32 $0x80, s21  }
0x54: {  	s5 =	ssub.s32 @!p1 $0x1, s5;
	p2 =	por !p2, p1;
	p3 =	sgt.s32 s4, $0xBF  }
0x55: {  	s5 =	simm.s32 @!p2 $0x0;
	s0 =	smul.u32 @!p1 s2, s0;
	s7 =	smov.u32 @p3 s6  }
0x56: {  	s2 =	sadd.s32 $0x2, s23;
	s6 =	smov.u32 s23;
	p2 =	sgt.s32 s7, $0xBF  }
0x57: {  	s4 =	simm.s32 @p3 $0x0;
	s0 =	smul.u32 @!p1 s5, s0;
	s6 =	smov.u32 @p2 s2  }
0x58: {  	s2 =	sadd.s32 $0x2, s24;
	s5 =	smov.u32 s24;
	p3 =	sgt.s32 s6, $0x1  }
0x59: {  	s7 =	smov.u32 @p2 s13;
	s0 =	smul.u32 @!p1 s1, s0;
	s5 =	smov.u32 @p3 s2  }
0x5a: {  	s1 =	sadd.s32 $0x80, s26;
	s2 =	smov.u32 s26;
	p2 =	sgt.s32 s5, $0x1  }
0x5b: {  	s6 =	smov.u32 @p3 s14;
	s0 =	smul.u32 @!p1 s3, s0;
	s2 =	smov.u32 @p2 s1  }
0x5c: {  	s1 =	sadd.s32 $0x2, s27;
	s3 =	smov.u32 s27;
	p3 =	sgt.s32 s2, $0x5F  }
0x5d: {  	s0 =	sand.u32 @!p1 $0x3FFFFFFF, s0;
	s3 =	smov.u32 @p3 s1;
	s1 =	simm.s32 @!p1 $0x2  }
0x5e: {  	s15 =	smov.u32 s21;
	s28 =	smov.u32 s17;
	_ =	swait.ge @!p1 [sflag:s1], s0  }
0x5f: {  	s5 =	smov.u32 @p2 s10;
	p2 =	sgt.s32 s3, $0x1;
	s20 =	rddreg [dreg:$0x9]  }
0x60: {  	s17 =	smov.u32 s23;
	s3 =	smov.u32 @p2 s9;
	p2 =	sne.s32 s25, s20  }
.Ltmp1:
0x61: {  	s29 =	smov.u32 s19;
	s19 =	smov.u32 s26;
	(pc) =	sbr.rel @!p2 .LBB1_25-.Ltmp1, $4  }
0x62: {  	s21 =	smov.u32 s4;
	s22 =	smov.u32 s7;
	s23 =	smov.u32 s6  }
0x63: {  	s24 =	smov.u32 s5;
	s2 =	simm.s32 @p3 $0x0;
	s0 =	ssub.s32 @!p1 $0x0, s0  }
0x64: {  	s26 =	smov.u32 s2;
	[sflag:s1] =	ssyncset.done @!p1 $0x0;
	s25 =	sadd.s32 $0x1, s25  }
0x65: {  	s20 =	smov.u32 s27;
	[sflag:s1] =	ssyncadd.s32 @!p1 s0;
	s27 =	smov.u32 s3  }
.LBB1_1:
0x66: {  	p1 =	sge.u32 s25, s12  }
.Ltmp2:
0x67: {  	_ = 	snop;
	(pc) =	sbr.rel @p1 .LBB1_3-.Ltmp2, $1  }
0x68: {  	_ =	sdelay $0x3  }
0x69: {  	s0 =	sxor.u32 $0xFFFFFFFF, s25;
	s1 =	sshll.u32 s22, $0x8;
	s2 =	sshll.u32 s21, $0x3  }
0x6a: {  	s3 =	sshra.s32 s27, $0x1F;
	p1 =	sgt.s32 s27, $0x1;
	s4 =	smov.u32 s26  }
0x6b: {  	s6 =	sshra.s32 s26, $0x1F;
	s5 =	sshll.u32 s22, $0x7;
	s7 =	sshra.s32 s24, $0x1F  }
0x6c: {  	[dreg:$0x1d] =	wrdreg s25;
	s1 =	sand.u32 $0xFFFFF800, s1;
	s2 =	sand.u32 $0xFFFFFC00, s2  }
0x6d: {  	s3 =	sand.u32 s3, s27;
	s1 =	sadd.s32 s1, s2;
	s2 =	smov.u32 s27  }
0x6e: {  	s25 =	sshll.u32 s0, $0xE;
	s3 =	sxor.u32 $0xFFFFFFFF, s3;
	s2 =	simm.s32 @!p1 $0x1  }
0x6f: {  	s0 =	sand.u32 $0x78, s21;
	p1 =	sgt.s32 s26, $0xFFFFFFE0;
	s2 =	sadd.s32 s3, s2  }
0x70: {  	s4 =	simm.s32 @!p1 $0xFFFFFFE0;
	s3 =	sand.u32 s6, s26;
	s6 =	smov.u32 s24  }
0x71: {  	p1 =	sgt.s32 s2, $0x0;
	s2 =	ssub.s32 $0x1, s2;
	s3 =	ssub.s32 s4, s3  }
0x72: {  	s2 =	simm.s32 @p1 $0x0;
	s4 =	sadd.s32 $0x20, s3;
	p1 =	sgt.s32 s24, $0x1  }
0x73: {  	s3 =	ssub.s32 $0x60, s3;
	s6 =	simm.s32 @!p1 $0x1;
	p1 =	sgt.s32 s4, $0x7F  }
0x74: {  	s4 =	sand.u32 s7, s24;
	s7 =	sand.u32 $0x300, s5;
	s5 =	sand.u32 $0x80, s5  }
0x75: {  	s4 =	sxor.u32 $0xFFFFFFFF, s4;
	s1 =	sor.u32 s7, s1;
	s3 =	simm.s32 @p1 $0x0  }
0x76: {  	s7 =	sshra.s32 s23, $0x1F;
	s5 =	sor.u32 s0, s5;
	s0 =	smov.u32 s12  }
0x77: {  	s12 =	smov.u32 s13;
	s13 =	smov.u32 s14;
	s14 =	smov.u32 s10  }
0x78: {  	s10 =	smov.u32 s9;
	s9 =	smov.u32 s8;
	s4 =	sadd.s32 s4, s6  }
0x79: {  	s2 =	smul.u32 s2, s3;
	s6 =	sand.u32 s7, s23;
	s7 =	sshra.s32 s22, $0x1F  }
0x7a: {  	p1 =	sgt.s32 s4, $0x0;
	s3 =	ssub.s32 $0x1, s4;
	s4 =	smov.u32 s23  }
0x7b: {  	s7 =	sand.u32 s7, s22;
	s3 =	simm.s32 @p1 $0x0;
	p1 =	sgt.s32 s23, $0x1  }
0x7c: {  	s2 =	smul.u32 s3, s2;
	s4 =	simm.s32 @!p1 $0x1;
	s3 =	sxor.u32 $0xFFFFFFFF, s6  }
0x7d: {  	p1 =	sgt.s32 s22, $0xBF;
	s6 =	smov.u32 s22;
	s3 =	sadd.s32 s3, s4  }
0x7e: {  	s6 =	simm.s32 @!p1 $0xBF;
	p1 =	sgt.s32 s3, $0x0;
	s3 =	ssub.s32 $0x1, s3  }
0x7f: {  	s1 =	sshrl.u32 s1, $0x8;
	s4 =	ssub.s32 s6, s7;
	s3 =	simm.s32 @p1 $0x0  }
0x80: {  	s7 =	sshra.s32 s21, $0x1F;
	s6 =	sadd.s32 $0xFFFFFF41, s4;
	s2 =	smul.u32 s3, s2  }
0x81: {  	p1 =	sgt.s32 s6, $0x0;
	s3 =	ssub.s32 $0xC0, s4;
	s4 =	smulhi.u32 $0x1555556, s1  }
0x82: {  	s6 =	sand.u32 s7, s21;
	s7 =	smul.u32 $0x240000, s27;
	s3 =	simm.s32 @p1 $0x0  }
0x83: {  	s8 =	smov.u32 s11;
	s11 =	rddreg [dreg:$0x5];
	s2 =	smul.u32 s3, s2  }
0x84: {  	p1 =	sgt.s32 s21, $0x80;
	s3 =	smov.u32 s21;
	s4 =	smul.u32 $0xC0, s4  }
0x85: {  	s7 =	sadd.s32 s11, s7;
	s11 =	smov.u32 s8;
	s8 =	smov.u32 s9  }
0x86: {  	s9 =	smov.u32 s10;
	s10 =	smov.u32 s14;
	s14 =	smov.u32 s13  }
0x87: {  	s13 =	smov.u32 s12;
	s12 =	smov.u32 s0;
	s3 =	simm.s32 @!p1 $0x80  }
0x88: {  	s0 =	sand.u32 $0x4000, s25;
	s25 =	rddreg [dreg:$0x1d];
	s3 =	ssub.s32 s3, s6  }
0x89: {  	s1 =	ssub.s32 s1, s4;
	s4 =	smul.u32 $0x6000, s26;
	s6 =	sadd.s32 $0xFFFFFF80, s3  }
0x8a: {  	s3 =	ssub.s32 $0x100, s3;
	p1 =	sgt.s32 s6, $0x7F;
	s6 =	smul.u32 $0x3000, s24  }
0x8b: {  	s4 =	sadd.s32 s4, s7;
	s7 =	smul.u32 $0x1800, s23;
	s3 =	simm.s32 @p1 $0x0  }
0x8c: {  	s1 =	sshll.u32 s1, $0x5;
	s2 =	smul.u32 s3, s2;
	s4 =	sadd.s32 s6, s4  }
0x8d: {  	s6 =	sshrl.u32 s5, $0x3;
	s3 =	sadd.s32 s7, s4;
	s7 =	sand.u32 $0x7, s21  }
0x8e: {  	s3 =	sadd.s32 s6, s3;
	s5 =	sshll.u32 s7, $0x12;
	s2 =	sand.u32 $0x3FFFFFFF, s2  }
0x8f: {  	s7 =	simm.s32 $0x30000;
	s1 =	sadd.s32 s1, s3;
	s6 =	sor.u32 $0x80, s5  }
0x90: {  	[tilespmem:s0], [sflag:$0x1] =	stream.strided.gather [hbm4b:s1+s6], s2, s7, s6, $0x38;
	[tilespmem:$0x10100] =	vst v63  }
.LBB1_3:
0x91: {  	s0 =	sadd.s32 $0xFFFFFFFF, s25  }
0x92: {  	p1 =	sge.u32 s0, s12  }
.Ltmp3:
0x93: {  	_ = 	snop;
	(pc) =	sbr.rel @p1 .LBB1_24-.Ltmp3, $1  }
0x94: {  	_ =	sdelay $0x3  }
0x95: {  	[dreg:$0x1b] =	wrdreg s8  }
0x96: {  	[dreg:$0x1a] =	wrdreg s11  }
0x97: {  	[dreg:$0x19] =	wrdreg s31  }
0x98: {  	[dreg:$0x18] =	wrdreg s30  }
0x99: {  	[dreg:$0x16] =	wrdreg s28  }
0x9a: {  	[dreg:$0x15] =	wrdreg s27  }
0x9b: {  	[dreg:$0x14] =	wrdreg s26  }
0x9c: {  	[dreg:$0x13] =	wrdreg s24  }
0x9d: {  	[dreg:$0x12] =	wrdreg s23  }
0x9e: {  	[dreg:$0x11] =	wrdreg s22  }
0x9f: {  	[dreg:$0x10] =	wrdreg s21;
	s0 =	sshra.s32 s20, $0x1F;
	p1 =	sgt.s32 s20, $0x1  }
0xa0: {  	s1 =	smov.u32 s20;
	s14 =	ssub.s32 $0x0, s19;
	s2 =	sshra.s32 s19, $0x1F  }
0xa1: {  	[dreg:$0xe] =	wrdreg s19;
	s3 =	smov.u32 s19;
	s0 =	sand.u32 s0, s20  }
0xa2: {  	s21 =	sshra.s32 s17, $0x1F;
	s1 =	simm.s32 @!p1 $0x1;
	s0 =	sxor.u32 $0xFFFFFFFF, s0  }
0xa3: {  	p2 =	sgt.s32 s17, $0x1;
	s5 =	sshra.s32 s16, $0x1F;
	s0 =	sadd.s32 s0, s1  }
0xa4: {  	s24 =	ssub.s32 $0x0, s15;
	p1 =	sgt.s32 s0, $0x0;
	s0 =	ssub.s32 $0x1, s0  }
0xa5: {  	s2 =	sand.u32 s14, s2;
	s0 =	simm.s32 @p1 $0x0;
	p1 =	sgt.s32 s19, $0xFFFFFFE0  }
0xa6: {  	[dreg:$0x1c] =	wrdreg s2;
	s19 =	sshra.s32 s18, $0x1F;
	s3 =	simm.s32 @!p1 $0xFFFFFFE0  }
0xa7: {  	p1 =	sgt.s32 s18, $0x1;
	s1 =	sand.u32 s19, s18;
	s2 =	sadd.s32 s2, s3  }
0xa8: {  	s3 =	smov.u32 s18;
	s1 =	sxor.u32 $0xFFFFFFFF, s1;
	s4 =	sadd.s32 $0x20, s2  }
0xa9: {  	s3 =	simm.s32 @!p1 $0x1;
	s2 =	ssub.s32 $0x60, s2;
	p1 =	sgt.s32 s4, $0x7F  }
0xaa: {  	s1 =	sadd.s32 s1, s3;
	s4 =	smov.u32 s17;
	s3 =	sand.u32 s21, s17  }
0xab: {  	s2 =	simm.s32 @p1 $0x0;
	p1 =	sgt.s32 s1, $0x0;
	s1 =	ssub.s32 $0x1, s1  }
0xac: {  	s4 =	simm.s32 @!p2 $0x1;
	s3 =	sxor.u32 $0xFFFFFFFF, s3;
	s1 =	simm.s32 @p1 $0x0  }
0xad: {  	s3 =	sadd.s32 s3, s4;
	p1 =	sgt.s32 s16, $0xBF;
	s4 =	smov.u32 s16  }
0xae: {  	s26 =	sshra.s32 s15, $0x1F;
	s5 =	sand.u32 s5, s16;
	s4 =	simm.s32 @!p1 $0xBF  }
0xaf: {  	p1 =	sgt.s32 s3, $0x0;
	s6 =	ssub.s32 $0x1, s3;
	s7 =	smul.u32 s0, s1  }
0xb0: {  	s27 =	sand.u32 s24, s26;
	s22 =	ssub.s32 s4, s5;
	s6 =	simm.s32 @p1 $0x0  }
0xb1: {  	p1 =	sgt.s32 s15, $0x80;
	s5 =	smov.u32 s15;
	s2 =	smul.u32 s2, s7  }
0xb2: {  	s23 =	sadd.s32 $0xFFFFFF41, s22;
	s5 =	simm.s32 @!p1 $0x80;
	s3 =	ssub.s32 $0xC0, s22  }
0xb3: {  	p1 =	sgt.s32 s23, $0x0;
	s0 =	sadd.s32 s27, s5;
	s28 =	smul.u32 s6, s2  }
0xb4: {  	[dreg:$0x17] =	wrdreg s29;
	s3 =	simm.s32 @p1 $0x0;
	s29 =	sadd.s32 $0xFFFFFF80, s0  }
0xb5: {  	s0 =	ssub.s32 $0x100, s0;
	p1 =	sgt.s32 s29, $0x7F;
	s1 =	smul.u32 s3, s28  }
0xb6: {  	[dreg:$0xd] =	wrdreg s18;
	s0 =	simm.s32 @p1 $0x0  }
0xb7: {  	[dreg:$0xc] =	wrdreg s17;
	s0 =	smul.u32 s0, s1;
	s1 =	sadd.s32 $0x1, s20  }
0xb8: {  	[dreg:$0xb] =	wrdreg s16;
	p1 =	slt.s32 s1, $0x2  }
0xb9: {  	[dreg:$0xa] =	wrdreg s15;
	s1 =	simm.s32 @!p1 $0x2  }
0xba: {  	[dreg:$0x1f] =	wrdreg s7;
	s7 =	ssub.s32 s1, s20  }
0xbb: {  	[smem:$0x7FB] =	sst s27;
	p1 =	slt.s32 s7, $0x1  }
.Ltmp4:
0xbc: {  	[dreg:$0x1e] =	wrdreg s6;
	(pc) =	sbr.rel @p1 .LBB1_23-.Ltmp4, $4  }
0xbd: {  	s30 =	simm.s32 $0x1;
	[smem:$0x7FC] =	sst s3;
	s0 =	sand.u32 $0x3FFFFFFF, s0  }
0xbe: {  	s31 =	sand.u32 $0x1, s25;
	_ =	swait.ge [sflag:s30], s0  }
0xbf: {  	[dreg:$0xf] =	wrdreg s20;
	s0 =	ssub.s32 $0x0, s0;
	[sflag:s30] =	ssyncset.done $0x0  }
0xc0: {  	[smem:$0x7FD] =	sst s31;
	[sflag:s30] =	ssyncadd.s32 s0  }
0xc1: {  	s8 =	rddreg [dreg:$0xe]  }
0xc2: {  	s5 =	rddreg [dreg:$0xd]  }
0xc3: {  	s6 =	rddreg [dreg:$0xa]  }
0xc4: {  	s9 =	rddreg [dreg:$0xc]  }
0xc5: {  	s0 =	simm.s32 $0x1;
	s29 =	rddreg [dreg:$0xb]  }
0xc6: {  	s31 =	sld [smem:$0x7FD];
	s0 =	simm.s32 @!p0 $0x0;
	s2 =	sadd.s32 $0x80, s8  }
0xc7: {  	s3 =	sadd.s32 $0x1, s5;
	s0 =	smul.u32 $0x10200, s0;
	p1 =	slt.s32 s2, $0x60  }
0xc8: {  	s4 =	sadd.s32 $0x80, s6;
	s2 =	simm.s32 @!p1 $0x60;
	p1 =	slt.s32 s3, $0x2  }
0xc9: {  	s1 =	sshrl.u32 s0, $0x2;
	s3 =	simm.s32 @!p1 $0x2;
	p1 =	slt.s32 s4, $0xC0  }
0xca: {  	s10 =	sadd.s32 $0xF8F0, s1;
	s1 =	ssub.s32 s2, s8;
	s2 =	ssub.s32 s3, s5  }
0xcb: {  	s3 =	sadd.s32 $0x1, s9;
	s4 =	simm.s32 @!p1 $0xC0;
	s5 =	sadd.s32 $0x1, s29  }
0xcc: {  	p1 =	slt.s32 s3, $0x2;
	s4 =	ssub.s32 s4, s6;
	p6 =	slt.s32 s2, $0x1  }
0xcd: {  	s6 =	sshll.u32 s31, $0xE;
	s3 =	simm.s32 @!p1 $0x2;
	s12 =	sadd.s32 $0xF, s4  }
0xce: {  	p1 =	slt.s32 s5, $0xC0;
	s3 =	ssub.s32 s3, s9;
	s4 =	sshrl.u32 s12, $0x8  }
0xcf: {  	s5 =	simm.s32 @!p1 $0xC0;
	s8 =	sand.u32 $0xFFFFFFF0, s12;
	s30 =	smul.u32 $0x20400, s4  }
.Ltmp5:
0xd0: {  	s9 =	ssub.s32 s5, s29;
	p2 =	slt.s32 s3, $0x1;
	(pc) =	sbr.rel .LBB1_6-.Ltmp5, $4  }
0xd1: {  	s4 =	sand.u32 $0xFFFFFF00, s12;
	s5 =	simm.s32 $0x0;
	p3 =	slt.s32 s9, $0x1  }
0xd2: {  	p1 =	por p6, p2;
	p4 =	sge.s32 s4, s8;
	s0 =	sadd.s32 s0, s30  }
0xd3: {  	p2 =	por p1, p3;
	p1 =	slt.s32 s1, $0x1;
	s0 =	sshra.s32 s0, $0x2  }
0xd4: {  	p3 =	slt.s32 s12, $0x100;
	p2 =	por p1, p2;
	s11 =	sadd.s32 $0x8000, s0  }
.LBB1_22:
0xd5: {  	s5 =	sadd.s32 $0x1, s5  }
0xd6: {  	p5 =	sne.s32 s5, s7  }
.Ltmp6:
0xd7: {  	_ = 	snop;
	(pc) =	sbr.rel @!p5 .LBB1_23-.Ltmp6, $2  }
0xd8: {  	_ =	sdelay $0x2  }
0xd9: {  	s10 =	sadd.s32 $0x4080, s10;
	s11 =	sadd.s32 $0x4080, s11  }
.LBB1_6:
.Ltmp7:
0xda: {  	(pc) =	sbr.rel @p2 .LBB1_22-.Ltmp7, $1  }
0xdb: {  	_ =	sdelay $0x3  }
.Ltmp8:
0xdc: {  	(pc) =	sbr.rel .LBB1_8-.Ltmp8, $4  }
0xdd: {  	_ = 	snop  }
0xde: {  	s0 =	sshll.u32 @!p1 s5, $0x10  }
0xdf: {  	s0 =	sshra.s32 @!p1 s0, $0x2  }
0xe0: {  	s12 =	simm.s32 $0x0;
	s27 =	simm.s32 $0x0;
	s0 =	sadd.s32 @!p1 s0, s6  }
.LBB1_21:
0xe1: {  	s27 =	sadd.s32 $0x1, s27  }
0xe2: {  	p5 =	sne.s32 s27, s1  }
.Ltmp9:
0xe3: {  	_ = 	snop;
	(pc) =	sbr.rel @!p5 .LBB1_22-.Ltmp9, $2  }
0xe4: {  	_ =	sdelay $0x2  }
0xe5: {  	s12 =	sadd.s32 $0x1, s12  }
.LBB1_8:
.Ltmp10:
0xe6: {  	(pc) =	sbr.rel .LBB1_9-.Ltmp10, $3  }
0xe7: {  	_ =	sdelay $0x1  }
0xe8: {  	s13 =	sand.u32 $0x7F, s12  }
0xe9: {  	s16 =	simm.s32 $0x0;
	s17 =	sshll.u32 s13, $0x2;
	s15 =	sadd.s32 s13, s11  }
.LBB1_20:
0xea: {  	s16 =	sadd.s32 $0x1, s16  }
0xeb: {  	p5 =	sne.s32 s16, s2  }
.Ltmp11:
0xec: {  	_ = 	snop;
	(pc) =	sbr.rel @!p5 .LBB1_21-.Ltmp11, $2  }
0xed: {  	_ =	sdelay $0x2  }
0xee: {  	s17 =	sadd.s32 $0x10200, s17;
	s15 =	sadd.s32 $0x4080, s15  }
.LBB1_9:
.Ltmp12:
0xef: {  	(pc) =	sbr.rel .LBB1_10-.Ltmp12, $2  }
0xf0: {  	_ =	sdelay $0x2  }
0xf1: {  	s26 =	sadd.s32 s27, s16;
	s18 =	simm.s32 $0x0  }
.LBB1_19:
0xf2: {  	s18 =	sadd.s32 $0x1, s18  }
0xf3: {  	p5 =	sne.s32 s18, s3  }
.Ltmp13:
0xf4: {  	_ = 	snop;
	(pc) =	sbr.rel @!p5 .LBB1_20-.Ltmp13, $1  }
0xf5: {  	_ =	sdelay $0x3  }
.LBB1_10:
.Ltmp14:
0xf6: {  	s13 =	sadd.s32 s18, s26;
	(pc) =	sbr.rel .LBB1_11-.Ltmp14, $4  }
0xf7: {  	s14 =	sand.u32 $0x1, s18;
	s13 =	sshll.u32 s13, $0x9  }
0xf8: {  	p5 =	seq.s32 s14, $0x1;
	s14 =	simm.s32 $0x81;
	s13 =	sshra.s32 s13, $0x2  }
0xf9: {  	s31 =	simm.s32 $0x0;
	s14 =	simm.s32 @!p5 $0x0;
	s28 =	sadd.s32 s13, s0  }
0xfa: {  	s29 =	sadd.s32 s14, s10;
	s30 =	sadd.s32 s14, s15;
	s13 =	simm.s32 $0x0  }
.LBB1_18:
0xfb: {  	s31 =	sadd.s32 $0x1, s31  }
0xfc: {  	p5 =	sne.s32 s31, s9  }
.Ltmp15:
0xfd: {  	_ = 	snop;
	(pc) =	sbr.rel @!p5 .LBB1_19-.Ltmp15, $2  }
0xfe: {  	_ =	sdelay $0x2  }
0xff: {  	s13 =	sadd.s32 $0x10200, s13;
	s30 =	sadd.s32 $0x4080, s30  }
.LBB1_11:
.Ltmp16:
0x100: {  	(pc) =	sbr.rel @p3 .LBB1_15-.Ltmp16, $2  }
0x101: {  	_ =	sdelay $0x2  }
0x102: {  	s19 =	sshll.u32 s31, $0x7  }
0x103: {  	s14 =	sand.u32 $0x380, s19  }
0x104: {  	s21 =	sadd.s32 s14, s28  }
0x105: {  	v5 =	vld [tilespmem:s21+$0x70]  }
0x106: {  	v6 =	vld [tilespmem:s21+$0x0]  }
0x107: {  	s22 =	sshra.s32 s13, $0x2;
	v7 =	vld [tilespmem:s21+$0x10]  }
0x108: {  	s24 =	sshra.s32 s17, $0x2;
	s22 =	sadd.s32 s22, s29;
	v0 =	vld [tilespmem:s21+$0x20]  }
0x109: {  	s23 =	sadd.s32 s24, s22;
	v1 =	vld [tilespmem:s21+$0x30]  }
0x10a: {  	v2 =	vld [tilespmem:s21+$0x40];
	[tilespmem:s23+$0x0 ss:$0x81] =	vst.msk $0xffff, v5  }
0x10b: {  	v3 =	vld [tilespmem:s21+$0x50];
	[tilespmem:s23+$0xFFFF8710 ss:$0x81] =	vst.msk $0xffff, v6  }
0x10c: {  	v4 =	vld [tilespmem:s21+$0x60];
	[tilespmem:s23+$0xFFFF8F20 ss:$0x81] =	vst.msk $0xffff, v7  }
0x10d: {  	[tilespmem:s23+$0xFFFF9730 ss:$0x81] =	vst.msk $0xffff, v0  }
0x10e: {  	[tilespmem:s23+$0xFFFF9F40 ss:$0x81] =	vst.msk $0xffff, v1  }
0x10f: {  	p5 =	sgt.s32 s4, $0x100;
	[tilespmem:s23+$0xFFFFA750 ss:$0x81] =	vst.msk $0xffff, v2  }
.Ltmp17:
0x110: {  	[tilespmem:s23+$0xFFFFAF60 ss:$0x81] =	vst.msk $0xffff, v3;
	(pc) =	sbr.rel @!p5 .LBB1_14-.Ltmp17, $4  }
0x111: {  	[tilespmem:s23+$0xFFFFB770 ss:$0x81] =	vst.msk $0xffff, v4  }
0x112: {  	[tilespmem:s23+$0xFFFFBF80 ss:$0x81] =	vst.msk $0xffff, v5  }
0x113: {  	[tilespmem:s23+$0xFFFFC790 ss:$0x81] =	vst.msk $0xffff, v6  }
0x114: {  	s14 =	smov.u32 s17;
	s24 =	simm.s32 $0x100;
	[tilespmem:s23+$0xFFFFCFA0 ss:$0x81] =	vst.msk $0xffff, v7  }
.LBB1_13:
0x115: {  	v5 =	vld [tilespmem:s21+$0x70];
	s24 =	sadd.s32 $0x100, s24;
	[tilespmem:s23+$0xFFFFD7B0 ss:$0x81] =	vst.msk $0xffff, v0  }
0x116: {  	v6 =	vld [tilespmem:s21+$0x0];
	p5 =	slt.s32 s24, s4;
	[tilespmem:s23+$0xFFFFDFC0 ss:$0x81] =	vst.msk $0xffff, v1  }
0x117: {  	s14 =	sadd.s32 $0x20400, s14;
	v7 =	vld [tilespmem:s21+$0x10];
	[tilespmem:s23+$0xFFFFE7D0 ss:$0x81] =	vst.msk $0xffff, v2  }
0x118: {  	s20 =	sshra.s32 s14, $0x2;
	v0 =	vld [tilespmem:s21+$0x20];
	[tilespmem:s23+$0xFFFFEFE0 ss:$0x81] =	vst.msk $0xffff, v3  }
0x119: {  	v1 =	vld [tilespmem:s21+$0x30];
	[tilespmem:s23+$0xFFFFF7F0 ss:$0x81] =	vst.msk $0xffff, v4;
	s23 =	sadd.s32 s20, s22  }
0x11a: {  	v2 =	vld [tilespmem:s21+$0x40];
	[tilespmem:s23+$0x0 ss:$0x81] =	vst.msk $0xffff, v5  }
0x11b: {  	[tilespmem:s23+$0xFFFF8710 ss:$0x81] =	vst.msk $0xffff, v6;
	v3 =	vld [tilespmem:s21+$0x50]  }
0x11c: {  	[tilespmem:s23+$0xFFFF8F20 ss:$0x81] =	vst.msk $0xffff, v7;
	v4 =	vld [tilespmem:s21+$0x60]  }
0x11d: {  	[tilespmem:s23+$0xFFFF9730 ss:$0x81] =	vst.msk $0xffff, v0  }
0x11e: {  	[tilespmem:s23+$0xFFFF9F40 ss:$0x81] =	vst.msk $0xffff, v1  }
0x11f: {  	[tilespmem:s23+$0xFFFFA750 ss:$0x81] =	vst.msk $0xffff, v2  }
.Ltmp18:
0x120: {  	[tilespmem:s23+$0xFFFFAF60 ss:$0x81] =	vst.msk $0xffff, v3;
	(pc) =	sbr.rel @p5 .LBB1_13-.Ltmp18, $4  }
0x121: {  	[tilespmem:s23+$0xFFFFB770 ss:$0x81] =	vst.msk $0xffff, v4  }
0x122: {  	[tilespmem:s23+$0xFFFFBF80 ss:$0x81] =	vst.msk $0xffff, v5  }
0x123: {  	[tilespmem:s23+$0xFFFFC790 ss:$0x81] =	vst.msk $0xffff, v6  }
0x124: {  	[tilespmem:s23+$0xFFFFCFA0 ss:$0x81] =	vst.msk $0xffff, v7  }
.LBB1_14:
0x125: {  	[tilespmem:s23+$0xFFFFD7B0 ss:$0x81] =	vst.msk $0xffff, v0  }
0x126: {  	[tilespmem:s23+$0xFFFFDFC0 ss:$0x81] =	vst.msk $0xffff, v1  }
0x127: {  	[tilespmem:s23+$0xFFFFE7D0 ss:$0x81] =	vst.msk $0xffff, v2  }
0x128: {  	[tilespmem:s23+$0xFFFFEFE0 ss:$0x81] =	vst.msk $0xffff, v3  }
0x129: {  	[tilespmem:s23+$0xFFFFF7F0 ss:$0x81] =	vst.msk $0xffff, v4  }
.LBB1_15:
.Ltmp19:
0x12a: {  	(pc) =	sbr.rel @p4 .LBB1_18-.Ltmp19, $1  }
0x12b: {  	_ =	sdelay $0x3  }
0x12c: {  	s14 =	sand.u32 $0x380, s19  }
0x12d: {  	s14 =	sadd.s32 s14, s28  }
0x12e: {  	v0 =	vmov s14;
	_ =	sdelay $0x2  }
0x12f: {  	s19 =	smov.u32 s4;
	s14 =	smov.u32 s30  }
.LBB1_17:
0x130: {  	s20 =	sand.u32 $0x70, s19;
	s19 =	sadd.s32 $0x10, s19  }
0x131: {  	v1 =	vld.idx.msk [tilespmem:v0+s20+$0x0 ss:$0x1], $0xffff;
	p5 =	slt.s32 s19, s8  }
.Ltmp20:
0x132: {  	_ = 	snop;
	(pc) =	sbr.rel @p5 .LBB1_17-.Ltmp20, $2  }
0x133: {  	_ =	sdelay $0x2  }
0x134: {  	[tilespmem:s14+$0x0 ss:$0x81] =	vst.msk $0xffff, v1;
	s14 =	sadd.s32 $0x810, s14  }
.Ltmp21:
0x135: {  	_ = 	snop;
	(pc) =	sbr.rel .LBB1_18-.Ltmp21, $1  }
0x136: {  	_ =	sdelay $0x3  }
.LBB1_25:
0x137: {  	_ =	sfence.sel $0x180000  }
0x138: {  	s0 =	simm.s32 $0x1;
	[bflag:$0x0] =	sbarrier.arrive $0xFFFF  }
0x139: {  	s30 =	simm.s32 $0x2;
	[sflag:s0] =	ssyncpa.u1 $0x1  }
0x13a: {  	[sflag:s30] =	ssyncpa.u1 $0x1  }
0x13b: {  	_ =	strace $0x9000004D  }
0x13c: {  	s31 =	stileid.u32;
	[bflag:$0x2] =	sbarrier.arrive $0xFFFF  }
0x13d: {  	p0 =	sne.s32 s31, $0x0;
	s0 =	rddreg [dreg:$0x1]  }
0x13e: {  	s0 =	sadd.s32 @!p0 $0x100000, s0  }
0x13f: {  	[sflag:s0] =	ssyncadd.tile.s32 @!p0 $0x1;
	_ =	shalt  }
.Lfunc_end1:
_tile_overlayer_lowered:
.L_overlay_start_2:
0x140: {  	(tag) =	ssettag $0x2  }
0x141: {  	s0 =	rddreg [dreg:$0x0];
	s2 =	stileid.u32  }
0x142: {  	s1 =	rddreg [dreg:$0x1];
	p0 =	sne.s32 s2, $0x0  }
0x143: {  	s3 =	rddreg [dreg:$0x2];
	[bflag:$0x3] =	sbarrier.arrive $0xFFFF;
	s2 =	simm.s32 @!p0 $0x1C01  }
0x144: {  	[timem:s3], [sflag:s2] =	dma.local @!p0 [hbm:s0], s1  }
0x145: {  	s0 =	simm.s32 @!p0 $0x1  }
0x146: {  	_ =	swait.ge @!p0 [sflag:s0], s1  }
0x147: {  	s1 =	ssub.s32 @!p0 $0x0, s1;
	[sflag:s0] =	ssyncset.done @!p0 $0x0  }
0x148: {  	[sflag:s0] =	ssyncadd.s32 @!p0 s1  }
0x149: {  	[bflag:$0x3] =	sbarrier.arrive $0xFFFF  }
0x14a: {  	_ =	shalt  }

// kernel: sparse-core-data-format-call.2.cloned.1.call-start
scs
called_computation.2_lowered:
.L_overlay_start_0:
0x0: {  	s2 =	sld [smem:$0x3FD9]  }
0x1: {  	s3 =	sld [smem:$0x3FFE];
	_ =	sdelay $0x1  }
0x2: {  	s1 =	srdreg.scid  }
0x3: {  	s0 =	sand.u32 $0x1, s1  }
0x4: {  	s18 =	sshll.u32 s0, $0xA;
	s2 =	sadd.s32 s3, s2  }
0x5: {  	s2 =	sadd.s32 s2, s18  }
0x6: {  	[smem:$0x3FC5] =	sst s2  }
0x7: {  	_ = 	snop  }
0x8: {  	s2 =	sld [smem:$0x3FD0];
	(tm) =	ssettm $0x1  }
0x9: {  	s19 =	sld [smem:$0x3FFB];
	_ =	sdelay $0x3  }
0xa: {  	_ =	strace s19  }
0xb: {  	s3 =	sld [smem:$0x3FFC];
	_ =	sdelay $0x3  }
0xc: {  	_ =	strace s3  }
0xd: {  	s3 =	sld [smem:$0x3FFD];
	_ =	sdelay $0x3  }
0xe: {  	_ =	strace s3  }
0xf: {  	_ =	strace $0x8FFFFFFF  }
0x10: {  	s20 =	sld [smem:$0x3FDB];
	_ =	sdelay $0x1  }
0x11: {  	s4 =	simm.s32 $_scs_section_size  }
0x12: {  	s5 =	simm.s32 $_size__tile_overlayer_lowered;
	s6 =	simm.s32 $_tile_overlayer_lowered  }
0x13: {  	s23 =	simm.s32 $0x1BFF;
	s22 =	sshll.u32 s6, $0x1;
	s3 =	sadd.s32 s4, s20  }
0x14: {  	s7 =	simm.s32 $0x0;
	s21 =	sshll.u32 s5, $0x1;
	s5 =	sadd.s32 s22, s3  }
0x15: {  	[timem:s7], [sflag:s23] =	dma.local [hbm:s5], s21  }
0x16: {  	_ =	swait.ge [sflag:s23], s21  }
0x17: {  	s4 =	ssub.s32 $0x0, s21;
	[sflag:s23] =	ssyncset.done $0x0  }
0x18: {  	[sflag:s23] =	ssyncadd.s32 s4;
	_ =	sdelay $0x1  }
0x19: {  	s24 =	simm.s32 $0x1B8B  }
0x1a: {  	_ =	swait.ge [sflag:s24], $0x1  }
0x1b: {  	[sflag:s24] =	ssyncset.done $0x0  }
0x1c: {  	s26 =	simm.s32 $0x1B8E;
	s25 =	sld [smem:$0x3FFE];
	[sflag:s24] =	ssyncadd.s32 $0xFFFFFFFF  }
0x1d: {  	s27 =	simm.s32 $execute0_lowered;
	[smem:$0x3FD2] =	sst s26  }
0x1e: {  	s5 =	sshll.u32 s27, $0x1;
	_ =	strace $0x80000049;
	[dreg:$0x1] =	wrdreg $0xFFFFFFFF  }
0x1f: {  	s28 =	simm.s32 $_size_execute0_lowered;
	s3 =	sadd.s32 s3, s5;
	[dreg:$0x0] =	wrdreg $0x0  }
0x20: {  	s5 =	sshll.u32 s28, $0x1;
	[dreg:$0x2] =	wrdreg s3  }
0x21: {  	[dreg:$0x3] =	wrdreg s5  }
0x22: {  	[dreg:$0x4] =	wrdreg $0xC0  }
0x23: {  	_ =	task [dreg:s7], $0x5FFFF  }
0x24: {  	[dreg:$0x1] =	wrdreg $0xFFFFFFFF  }
0x25: {  	[dreg:$0x0] =	wrdreg $0x60  }
0x26: {  	[dreg:$0x2] =	wrdreg s2  }
0x27: {  	[dreg:$0x3] =	wrdreg s25  }
0x28: {  	[dreg:$0x4] =	wrdreg $0x9  }
0x29: {  	_ =	task.clear_ibuf [dreg:s7], $0x5FFFF;
	_ =	strace $0x90000049  }
0x2a: {  	s29 =	simm.s32 $0x9;
	_ =	strace $0x8000004B  }
0x2b: {  	_ =	swait.ge [sflag:s29], $0x1  }
0x2c: {  	[sflag:s29] =	ssyncadd.s32 $0xFFFFFFFF  }
0x2d: {  	_ =	strace $0x9000004B  }
0x2e: {  	_ =	sfence  }
0x2f: {  	s30 =	sld [smem:$0x0];
	_ =	sdelay $0x2  }
0x30: {  	s31 =	sshll.u32 s1, $0xD;
	s1 =	sshrl.u32 s1, $0x2  }
0x31: {  	s3 =	sand.u32 $0x4000, s31;
	s1 =	sadd.s32 s1, s30  }
0x32: {  	s0 =	sor.u32 s3, s0;
	s1 =	sshll.u32 s1, $0x11  }
0x33: {  	s0 =	sor.u32 s1, s0  }
0x34: {  	s0 =	sadd.s32 $0x8F2B, s0  }
0x35: {  	[sflag:s0] =	ssyncadd.remote.s32 $0x1  }
0x36: {  	_ =	sfence.sel $0xFFFF  }
0x37: {  	[dreg:$0x0] =	wrdreg $0xFFFFFFFF;
	(pc) =	sbr.abs _section_cstart, $3  }
0x38: {  	[dreg:$0x1] =	wrdreg $0xFFFFFFFF  }
0x39: {  	_ =	task.clear_ibuf [dreg:s7], $0x2FFFF;
	_ =	strace $0x9FFFFFFF  }
0x3a: {  	(tm) =	ssettm $0x7FFFFFFF  }
0x3b: {  	_ =	shalt  }
tec
execute0_lowered:
.L_overlay_start_1:
0x0: {  	(tag) =	ssettag $0x1  }
0x1: {  	s0 =	stileid.u32;
	s1 =	srdreg.scid  }
0x2: {  	s2 =	sshll.u32 s0, $0x6;
	s1 =	sshll.u32 s1, $0xA  }
0x3: {  	s1 =	sor.u32 s2, s1  }
0x4: {  	s31 =	rddreg [dreg:$0x1];
	s1 =	sand.u32 $0x780, s1  }
0x5: {  	s8 =	simm.s32 $0x2;
	s2 =	sand.u32 $0x1, s0;
	s3 =	ssub.s32 $0x9000, s1  }
0x6: {  	s14 =	simm.s32 $0x0;
	s4 =	ssub.s32 $0x2, s2;
	s5 =	sand.u32 $0x780, s3  }
0x7: {  	s6 =	sshrl.u32 s4, $0x1;
	p0 =	sne.s32 s5, $0x0;
	s5 =	simm.s32 $0x1  }
0x8: {  	s7 =	sand.u32 $0x1, s4;
	s3 =	sshrl.u32 s3, $0xB;
	s5 =	simm.s32 @!p0 $0x0  }
0x9: {  	s9 =	simm.s32 $0x300;
	s6 =	sadd.s32 s7, s6;
	s3 =	sadd.s32 s5, s3  }
0xa: {  	s15 =	simm.s32 $0x0;
	s16 =	simm.s32 $0x0;
	s6 =	smul.u32 s3, s6  }
.Ltmp0:
0xb: {  	s11 =	simm.s32 $0x0;
	s13 =	simm.s32 $0x0;
	(pc) =	sbr.rel .LBB1_1-.Ltmp0, $4  }
0xc: {  	s12 =	smov.u32 s2;
	s4 =	rddreg [dreg:$0x0];
	s5 =	simm.s32 $0x1  }
0xd: {  	s3 =	rddreg [dreg:$0x2];
	_ =	strace $0x8000004A;
	s6 =	smul.u32 $0x3, s6  }
0xe: {  	s10 =	smov.u32 s1;
	s7 =	sadd.s32 $0x1800, s31;
	[sflag:s5] =	ssyncpa.u1 $0x0  }
0xf: {  	p0 =	por $0x0, $0x0;
	[sflag:s8] =	ssyncpa.u1 $0x0;
	s8 =	sadd.s32 $0x1, s6  }
.LBB1_4:
0x10: {  	s22 =	sshrl.u32 s16, $0x1  }
0x11: {  	s23 =	sshll.u32 s15, $0x1;
	s22 =	smul.u32 $0x300, s22  }
0x12: {  	s27 =	sshll.u32 s16, $0x7;
	s23 =	sand.u32 $0xFFFFFF00, s23  }
0x13: {  	v5 =	vld [tilespmem:s20+$0xFFFFFFD0];
	[tilespmem:s19+$0x2040 ss:$0x81] =	vst.msk $0xffff, v4;
	s16 =	sand.u32 $0x80, s27;
	s22 =	sadd.s32 s22, s23  }
0x14: {  	v58 =	vld [tilespmem:s20+$0xFFFFFFE0];
	[tilespmem:s19+$0x2850 ss:$0x81] =	vst.msk $0xffff, v3;
	s28 =	sand.u32 $0x7F, s15;
	s16 =	sor.u32 s16, s22  }
0x15: {  	s21 =	sshra.s32 s21, $0x2;
	v59 =	vld [tilespmem:s20+$0xFFFFFFF0];
	[tilespmem:s19+$0x3060 ss:$0x81] =	vst.msk $0xffff, v2;
	s15 =	sor.u32 s28, s16  }
0x16: {  	v60 =	vld [tilespmem:s20+$0x0];
	[tilespmem:s19+$0x0 ss:$0x81] =	vst.msk $0xffff, v0;
	s18 =	sadd.s32 s21, s18;
	s29 =	smulhi.u32 $0xAAAAAAAB, s15  }
0x17: {  	v61 =	vld [tilespmem:s20+$0x10];
	[tilespmem:s18+$0x3870 ss:$0x81] =	vst.msk $0xffff, v1;
	s16 =	smulhi.u32 $0xAAAAAAAB, s16  }
0x18: {  	v62 =	vld [tilespmem:s20+$0x20];
	[tilespmem:s18+$0x810 ss:$0x81] =	vst.msk $0xffff, v5;
	s19 =	sshrl.u32 s29, $0x8  }
0x19: {  	v63 =	vld [tilespmem:s20+$0xFFFFFFC0];
	[tilespmem:s18+$0x1020 ss:$0x81] =	vst.msk $0xffff, v58;
	s16 =	sshrl.u32 s16, $0x8;
	s19 =	smul.u32 $0x180, s19  }
0x1a: {  	s14 =	smul.u32 $0x60, s14;
	[tilespmem:s18+$0x1830 ss:$0x81] =	vst.msk $0xffff, v59;
	s16 =	sand.u32 $0x1, s16  }
0x1b: {  	[tilespmem:s18+$0x2040 ss:$0x81] =	vst.msk $0xffff, v60;
	p1 =	seq.s32 s16, $0x1;
	s16 =	simm.s32 $0x30;
	s15 =	ssub.s32 s15, s19  }
0x1c: {  	s14 =	sadd.s32 s7, s14;
	[tilespmem:s18+$0x2850 ss:$0x81] =	vst.msk $0xffff, v61;
	s16 =	simm.s32 @!p1 $0x0;
	s19 =	sand.u32 $0x7, s15  }
0x1d: {  	[tilespmem:s18+$0x3060 ss:$0x81] =	vst.msk $0xffff, v62;
	s14 =	sadd.s32 s16, s14;
	s15 =	sshrl.u32 s15, $0x3;
	s30 =	sshll.u32 s19, $0x12  }
0x1e: {  	[tilespmem:s18+$0x0 ss:$0x81] =	vst.msk $0xffff, v63;
	s14 =	sadd.s32 s15, s14;
	s31 =	sor.u32 $0x80, s30  }
0x1f: {  	[hbm4b:s14+s31] =	stream.strided.scatter [tilespmem:s17], [sflag:$0x2], $0x4000, s9, s31, $0x20;
	[tilespmem:$0x10100] =	vst v63  }
.LBB1_5:
0x20: {  	s17 =	sadd.s32 $0x800, s10  }
0x21: {  	s14 =	sadd.s32 $0x80, s11;
	s18 =	smov.u32 s11;
	p2 =	sgt.s32 s17, $0x8FFF  }
0x22: {  	s18 =	smov.u32 @p2 s14  }
0x23: {  	s20 =	smov.u32 s12;
	s14 =	sadd.s32 $0x2, s12;
	p3 =	sgt.s32 s18, $0x17F  }
0x24: {  	s20 =	smov.u32 @p3 s14  }
0x25: {  	s17 =	smov.u32 @p2 s1;
	p2 =	sgt.s32 s20, $0x1  }
0x26: {  	p1 =	slt.u32 s13, $0x2;
	s20 =	smov.u32 @p2 s2;
	p2 =	sne.s32 s13, s8  }
.Ltmp1:
0x27: {  	s19 =	simm.s32 @!p1 $0x2;
	(pc) =	sbr.rel @!p2 .LBB1_6-.Ltmp1, $4  }
0x28: {  	s15 =	smov.u32 s11;
	s16 =	smov.u32 s12;
	_ =	swait.ge @!p1 [sflag:s19], $0x4000  }
0x29: {  	p0 =	por !p0, !p0;
	[sflag:s19] =	ssyncset.done @!p1 $0x0;
	s18 =	simm.s32 @p3 $0x0  }
0x2a: {  	s14 =	smov.u32 s10;
	[sflag:s19] =	ssyncadd.s32 @!p1 $0xFFFFC000;
	s10 =	smov.u32 s17  }
0x2b: {  	s11 =	smov.u32 s18;
	s13 =	sadd.s32 $0x1, s13;
	s12 =	smov.u32 s20  }
.LBB1_1:
0x2c: {  	p1 =	sge.u32 s13, s6  }
0x2d: {  	s17 =	sshrl.u32 @!p1 s11, $0x3  }
0x2e: {  	s18 =	sshll.u32 @!p1 s10, $0x3;
	s17 =	smul.u32 @!p1 $0x48000, s17  }
0x2f: {  	s19 =	sshll.u32 @!p1 s11, $0x7;
	s18 =	sand.u32 @!p1 $0xFFFFFC00, s18  }
0x30: {  	s20 =	sand.u32 @!p1 $0x7F, s10;
	s17 =	sadd.s32 @!p1 s17, s18;
	s18 =	sand.u32 @!p1 $0x380, s19  }
0x31: {  	s18 =	sor.u32 @!p1 s20, s18;
	s19 =	smulhi.u32 @!p1 $0x38E38E39, s17  }
0x32: {  	s17 =	sor.u32 @!p1 s17, s18  }
0x33: {  	s18 =	smulhi.u32 @!p1 $0x38E38E39, s17;
	s19 =	sshrl.u32 @!p1 s19, $0xD  }
0x34: {  	s20 =	smulhi.u32 @!p1 $0xAAAAAB, s19;
	_ =	sdelay $0x1  }
0x35: {  	s18 =	sshrl.u32 @!p1 s18, $0xD;
	s20 =	smul.u32 @!p1 $0x180, s20  }
0x36: {  	s31 =	sadd.s32 $0xFFFFFFFF, s13;
	s18 =	smul.u32 @!p1 $0x9000, s18  }
0x37: {  	s21 =	sxor.u32 @!p1 $0xFFFFFFFF, s13;
	s19 =	ssub.s32 @!p1 s19, s20;
	s20 =	smul.u32 @!p1 $0x1B0000, s12  }
0x38: {  	s21 =	sshll.u32 @!p1 s21, $0xE;
	s17 =	ssub.s32 @!p1 s17, s18;
	s18 =	smul.u32 @!p1 $0x1200, s19  }
0x39: {  	s19 =	sand.u32 @!p1 $0x4000, s21;
	s21 =	sand.u32 @!p1 $0x7, s17;
	s20 =	sadd.s32 @!p1 s4, s20  }
0x3a: {  	s17 =	sshrl.u32 @!p1 s17, $0x3;
	s18 =	sadd.s32 @!p1 s18, s20;
	s20 =	sshll.u32 @!p1 s21, $0x12  }
0x3b: {  	s17 =	sadd.s32 @!p1 s17, s18;
	s18 =	sor.u32 @!p1 $0x400, s20;
	s20 =	simm.s32 @!p1 $0x48000  }
0x3c: {  	[tilespmem:s19], [sflag:$0x1] =	stream.strided.gather @!p1 [hbm4b:s17+s18], $0x4000, s20, s18, $0x38;
	[tilespmem:$0x10100] =	vst v63  }
0x3d: {  	p1 =	sge.u32 s31, s6  }
.Ltmp2:
0x3e: {  	_ = 	snop;
	(pc) =	sbr.rel @p1 .LBB1_5-.Ltmp2, $1  }
0x3f: {  	_ =	sdelay $0x3  }
0x40: {  	s17 =	simm.s32 $0x1  }
0x41: {  	_ =	swait.ge [sflag:s5], $0x4000;
	s17 =	simm.s32 @!p0 $0x0  }
0x42: {  	[sflag:s5] =	ssyncset.done $0x0;
	s18 =	sshll.u32 s17, $0xE  }
0x43: {  	[sflag:s5] =	ssyncadd.s32 $0xFFFFC000;
	s20 =	sor.u32 $0x40, s18  }
0x44: {  	s17 =	smul.u32 $0x10200, s17;
	v0 =	vld [tilespmem:s20+$0x30]  }
0x45: {  	v1 =	vld [tilespmem:s20+$0xFFFFFFD0]  }
0x46: {  	s17 =	sshrl.u32 s17, $0x2;
	v5 =	vld [tilespmem:s20+$0xFFFFFFE0]  }
0x47: {  	v6 =	vld [tilespmem:s20+$0xFFFFFFF0];
	s18 =	sor.u32 $0x8000, s17  }
0x48: {  	s31 =	sand.u32 $0x1, s13;
	v4 =	vld [tilespmem:s20+$0x0];
	s19 =	sadd.s32 $0x0, s18  }
0x49: {  	v3 =	vld [tilespmem:s20+$0x10];
	s17 =	smul.u32 $0x10200, s31;
	[tilespmem:s19+$0x3870 ss:$0x81] =	vst.msk $0xffff, v0  }
0x4a: {  	v2 =	vld [tilespmem:s20+$0x20];
	[tilespmem:s19+$0x810 ss:$0x81] =	vst.msk $0xffff, v1  }
0x4b: {  	s17 =	sshrl.u32 s17, $0x2;
	v0 =	vld [tilespmem:s20+$0xFFFFFFC0];
	[tilespmem:s19+$0x1020 ss:$0x81] =	vst.msk $0xffff, v5;
	s20 =	sadd.s32 $0x80, s20  }
0x4c: {  	s21 =	simm.s32 $0x4;
	s22 =	simm.s32 $0x8;
	s17 =	sor.u32 $0x8000, s17;
	[tilespmem:s19+$0x1830 ss:$0x81] =	vst.msk $0xffff, v6;
	v1 =	vld [tilespmem:s20+$0x30]  }
.LBB1_3:
0x4d: {  	p1 =	sne.s32 s22, $0x1FC;
	v5 =	vld [tilespmem:s20+$0xFFFFFFD0];
	[tilespmem:s19+$0x2040 ss:$0x81] =	vst.msk $0xffff, v4  }
0x4e: {  	v6 =	vld [tilespmem:s20+$0xFFFFFFE0];
	[tilespmem:s19+$0x2850 ss:$0x81] =	vst.msk $0xffff, v3  }
0x4f: {  	s23 =	sshra.s32 s21, $0x2;
	s21 =	smov.u32 s22;
	v7 =	vld [tilespmem:s20+$0xFFFFFFF0];
	[tilespmem:s19+$0x3060 ss:$0x81] =	vst.msk $0xffff, v2  }
.Ltmp3:
0x50: {  	v4 =	vld [tilespmem:s20+$0x0];
	[tilespmem:s19+$0x0 ss:$0x81] =	vst.msk $0xffff, v0;
	s19 =	sadd.s32 s23, s18;
	(pc) =	sbr.rel @p1 .LBB1_3-.Ltmp3, $4  }
0x51: {  	v3 =	vld [tilespmem:s20+$0x10];
	[tilespmem:s19+$0x3870 ss:$0x81] =	vst.msk $0xffff, v1  }
0x52: {  	[tilespmem:s19+$0x810 ss:$0x81] =	vst.msk $0xffff, v5;
	v2 =	vld [tilespmem:s20+$0x20]  }
0x53: {  	v0 =	vld [tilespmem:s20+$0xFFFFFFC0];
	[tilespmem:s19+$0x1020 ss:$0x81] =	vst.msk $0xffff, v6;
	s20 =	sadd.s32 $0x80, s20  }
0x54: {  	s22 =	sadd.s32 $0x4, s22;
	v1 =	vld [tilespmem:s20+$0x30];
	[tilespmem:s19+$0x1830 ss:$0x81] =	vst.msk $0xffff, v7  }
.Ltmp4:
0x55: {  	_ = 	snop;
	(pc) =	sbr.rel .LBB1_4-.Ltmp4, $1  }
0x56: {  	_ =	sdelay $0x3  }
.LBB1_6:
0x57: {  	_ =	sfence.sel $0x180000  }
0x58: {  	s1 =	simm.s32 $0x1;
	[bflag:$0x0] =	sbarrier.arrive $0xFFFF  }
0x59: {  	s31 =	simm.s32 $0x2;
	[sflag:s1] =	ssyncpa.u1 $0x1  }
0x5a: {  	[sflag:s31] =	ssyncpa.u1 $0x1  }
0x5b: {  	p0 =	sne.s32 s0, $0x0;
	_ =	strace $0x9000004A  }
0x5c: {  	s0 =	sadd.s32 @!p0 $0x100000, s3;
	[bflag:$0x2] =	sbarrier.arrive $0xFFFF  }
0x5d: {  	[sflag:s0] =	ssyncadd.tile.s32 @!p0 $0x1;
	_ =	shalt  }
.Lfunc_end1:
_tile_overlayer_lowered:
.L_overlay_start_2:
0x5e: {  	(tag) =	ssettag $0x2  }
0x5f: {  	s0 =	rddreg [dreg:$0x0];
	s2 =	stileid.u32  }
0x60: {  	s1 =	rddreg [dreg:$0x1];
	p0 =	sne.s32 s2, $0x0  }
0x61: {  	s3 =	rddreg [dreg:$0x2];
	[bflag:$0x3] =	sbarrier.arrive $0xFFFF;
	s2 =	simm.s32 @!p0 $0x1C01  }
0x62: {  	[timem:s3], [sflag:s2] =	dma.local @!p0 [hbm:s0], s1  }
0x63: {  	s0 =	simm.s32 @!p0 $0x1  }
0x64: {  	_ =	swait.ge @!p0 [sflag:s0], s1  }
0x65: {  	s1 =	ssub.s32 @!p0 $0x0, s1;
	[sflag:s0] =	ssyncset.done @!p0 $0x0  }
0x66: {  	[sflag:s0] =	ssyncadd.s32 @!p0 s1  }
0x67: {  	[bflag:$0x3] =	sbarrier.arrive $0xFFFF  }
0x68: {  	_ =	shalt  }

// kernel: sparse-core-data-format-call.3.cloned.1.call-start
scs
called_computation.3_lowered:
.L_overlay_start_0:
0x0: {  	s1 =	sld [smem:$0x3FD9]  }
0x1: {  	s2 =	sld [smem:$0x3FFE];
	_ =	sdelay $0x1  }
0x2: {  	s3 =	srdreg.scid  }
0x3: {  	s0 =	sand.u32 $0x1, s3  }
0x4: {  	s17 =	sshll.u32 s0, $0xA;
	s1 =	sadd.s32 s2, s1  }
0x5: {  	s1 =	sadd.s32 s1, s17  }
0x6: {  	[smem:$0x3FC5] =	sst s1  }
0x7: {  	_ = 	snop  }
0x8: {  	(tm) =	ssettm $0x1  }
0x9: {  	s18 =	sld [smem:$0x3FFB];
	_ =	sdelay $0x3  }
0xa: {  	_ =	strace s18  }
0xb: {  	s1 =	sld [smem:$0x3FFC];
	_ =	sdelay $0x3  }
0xc: {  	_ =	strace s1  }
0xd: {  	s1 =	sld [smem:$0x3FFD];
	_ =	sdelay $0x3  }
0xe: {  	_ =	strace s1  }
0xf: {  	_ =	strace $0x8FFFFFFF  }
0x10: {  	s19 =	sld [smem:$0x3FDB];
	_ =	sdelay $0x1  }
0x11: {  	s20 =	simm.s32 $_scs_section_size  }
0x12: {  	s4 =	simm.s32 $_size__tile_overlayer_lowered;
	s5 =	simm.s32 $_tile_overlayer_lowered  }
0x13: {  	s23 =	simm.s32 $0x1BFF;
	s22 =	sshll.u32 s5, $0x1;
	s1 =	sadd.s32 s20, s19  }
0x14: {  	s6 =	simm.s32 $0x0;
	s21 =	sshll.u32 s4, $0x1;
	s4 =	sadd.s32 s22, s1  }
0x15: {  	[timem:s6], [sflag:s23] =	dma.local [hbm:s4], s21  }
0x16: {  	_ =	swait.ge [sflag:s23], s21  }
0x17: {  	s2 =	ssub.s32 $0x0, s21;
	[sflag:s23] =	ssyncset.done $0x0  }
0x18: {  	[sflag:s23] =	ssyncadd.s32 s2;
	_ =	sdelay $0x1  }
0x19: {  	s24 =	simm.s32 $0x1B8B  }
0x1a: {  	_ =	swait.ge [sflag:s24], $0x1  }
0x1b: {  	[sflag:s24] =	ssyncset.done $0x0  }
0x1c: {  	s26 =	simm.s32 $0x1B8E;
	s25 =	sld [smem:$0x3FFE];
	[sflag:s24] =	ssyncadd.s32 $0xFFFFFFFF  }
0x1d: {  	s27 =	simm.s32 $execute0_lowered;
	[smem:$0x3FD2] =	sst s26  }
0x1e: {  	s4 =	sshll.u32 s27, $0x1;
	_ =	strace $0x80000046;
	[dreg:$0x1] =	wrdreg $0xFFFFFFFF  }
0x1f: {  	s28 =	simm.s32 $_size_execute0_lowered;
	s1 =	sadd.s32 s1, s4;
	[dreg:$0x0] =	wrdreg $0x0  }
0x20: {  	s4 =	sshll.u32 s28, $0x1;
	[dreg:$0x2] =	wrdreg s1  }
0x21: {  	[dreg:$0x3] =	wrdreg s4  }
0x22: {  	[dreg:$0x4] =	wrdreg $0xC0  }
0x23: {  	_ =	task [dreg:s6], $0x5FFFF  }
0x24: {  	[dreg:$0x1] =	wrdreg $0xFFFFFFFF  }
0x25: {  	[dreg:$0x0] =	wrdreg $0x60  }
0x26: {  	[dreg:$0x2] =	wrdreg s25  }
0x27: {  	[dreg:$0x3] =	wrdreg $0x9  }
0x28: {  	_ =	task.clear_ibuf [dreg:s6], $0x4FFFF;
	_ =	strace $0x90000046  }
0x29: {  	s29 =	simm.s32 $0x9;
	_ =	strace $0x80000048  }
0x2a: {  	_ =	swait.ge [sflag:s29], $0x1  }
0x2b: {  	[sflag:s29] =	ssyncadd.s32 $0xFFFFFFFF  }
0x2c: {  	_ =	strace $0x90000048  }
0x2d: {  	_ =	sfence  }
0x2e: {  	s30 =	sld [smem:$0x0];
	_ =	sdelay $0x2  }
0x2f: {  	s31 =	sshll.u32 s3, $0xD;
	s3 =	sshrl.u32 s3, $0x2  }
0x30: {  	s2 =	sand.u32 $0x4000, s31;
	s1 =	sadd.s32 s3, s30  }
0x31: {  	s0 =	sor.u32 s2, s0;
	s1 =	sshll.u32 s1, $0x11  }
0x32: {  	s0 =	sor.u32 s1, s0  }
0x33: {  	s0 =	sadd.s32 $0x8F2B, s0  }
0x34: {  	[sflag:s0] =	ssyncadd.remote.s32 $0x1  }
0x35: {  	_ =	sfence.sel $0xFFFF  }
0x36: {  	[dreg:$0x0] =	wrdreg $0xFFFFFFFF;
	(pc) =	sbr.abs _section_cstart, $3  }
0x37: {  	[dreg:$0x1] =	wrdreg $0xFFFFFFFF  }
0x38: {  	_ =	task.clear_ibuf [dreg:s6], $0x2FFFF;
	_ =	strace $0x9FFFFFFF  }
0x39: {  	(tm) =	ssettm $0x7FFFFFFF  }
tec
execute0_lowered:
.L_overlay_start_1:
0x0: {  	(tag) =	ssettag $0x1  }
0x1: {  	s0 =	rddreg [dreg:$0x0];
	s4 =	stileid.u32;
	_ =	strace $0x80000047  }
0x2: {  	s2 =	srdreg.scid;
	s30 =	simm.s32 $0x1;
	s31 =	simm.s32 $0x2  }
0x3: {  	s24 =	simm.s32 $0x0;
	p0 =	por $0x0, $0x0;
	s23 =	simm.s32 $0x0  }
0x4: {  	s26 =	simm.s32 $0x0;
	s25 =	simm.s32 $0x0;
	s27 =	simm.s32 $0x0  }
0x5: {  	s12 =	simm.s32 $0x0;
	s13 =	simm.s32 $0x0;
	s14 =	simm.s32 $0x0  }
0x6: {  	s15 =	simm.s32 $0x0;
	s16 =	simm.s32 $0x0;
	s17 =	simm.s32 $0x0  }
0x7: {  	s18 =	simm.s32 $0x0;
	s19 =	simm.s32 $0x0;
	s1 =	sadd.s32 $0x1800, s0  }
0x8: {  	s8 =	sand.u32 $0x1, s4;
	s0 =	sadd.s32 $0x481800, s0;
	[dreg:$0x3] =	wrdreg s1  }
0x9: {  	s29 =	sshll.u32 s2, $0x4;
	s28 =	ssub.s32 $0x2, s8;
	[dreg:$0x4] =	wrdreg s0  }
0xa: {  	s0 =	sand.u32 $0x10, s29;
	s3 =	sshrl.u32 s28, $0x1;
	s1 =	sand.u32 $0x1, s28  }
.Ltmp0:
0xb: {  	s0 =	sor.u32 s4, s0;
	s1 =	sadd.s32 s1, s3;
	(pc) =	sbr.rel .LBB1_1-.Ltmp0, $4  }
0xc: {  	[dreg:$0x2] =	wrdreg s8;
	s10 =	sshrl.u32 s0, $0x1;
	s9 =	smul.u32 $0x60, s1  }
0xd: {  	s22 =	simm.s32 $0x0;
	[sflag:s30] =	ssyncpa.u1 $0x0;
	[dreg:$0x6] =	wrdreg s10  }
0xe: {  	[sflag:s31] =	ssyncpa.u1 $0x0;
	s11 =	sor.u32 $0x1, s9;
	[dreg:$0x5] =	wrdreg s9  }
0xf: {  	s21 =	smov.u32 s8;
	s20 =	smov.u32 s10;
	[dreg:$0x7] =	wrdreg s11  }
.LBB1_19:
0x10: {  	s15 =	rddreg [dreg:$0xb]  }
0x11: {  	s13 =	rddreg [dreg:$0x9]  }
0x12: {  	s4 =	rddreg [dreg:$0x18]  }
0x13: {  	s5 =	rddreg [dreg:$0x1b]  }
0x14: {  	s17 =	rddreg [dreg:$0x1a]  }
0x15: {  	s18 =	rddreg [dreg:$0x19]  }
0x16: {  	s19 =	rddreg [dreg:$0x1f]  }
0x17: {  	s21 =	rddreg [dreg:$0x1c]  }
0x18: {  	s14 =	rddreg [dreg:$0xa]  }
0x19: {  	s12 =	rddreg [dreg:$0x8]  }
0x1a: {  	s8 =	rddreg [dreg:$0x4]  }
0x1b: {  	s9 =	rddreg [dreg:$0x5]  }
0x1c: {  	s10 =	rddreg [dreg:$0x6]  }
0x1d: {  	s31 =	simm.s32 $0x30000;
	s11 =	rddreg [dreg:$0x7]  }
0x1e: {  	s27 =	rddreg [dreg:$0x17];
	s0 =	sshll.u32 s15, $0x8;
	s1 =	sshll.u32 s13, $0x3  }
0x1f: {  	s2 =	sshll.u32 s15, $0x7;
	p1 =	sgt.s32 s13, $0x80;
	s4 =	smul.u32 s4, s5  }
0x20: {  	s3 =	smov.u32 s13;
	s6 =	sand.u32 $0x78, s13;
	s7 =	smul.u32 $0x3000, s14  }
0x21: {  	s25 =	smul.u32 $0x1800, s12;
	s28 =	sand.u32 $0x7, s13;
	s0 =	sand.u32 $0xFFFFF800, s0  }
0x22: {  	s1 =	sand.u32 $0xFFFFFC00, s1;
	s16 =	sand.u32 $0x300, s2;
	s3 =	simm.s32 @!p1 $0x80  }
0x23: {  	s2 =	sand.u32 $0x80, s2;
	s29 =	sshll.u32 s28, $0x12;
	s0 =	sadd.s32 s0, s1  }
0x24: {  	s1 =	sadd.s32 s17, s3;
	s3 =	smul.u32 s18, s4;
	s17 =	rddreg [dreg:$0xd]  }
0x25: {  	s4 =	smul.u32 $0x4080, s19;
	s2 =	sor.u32 s2, s6;
	s18 =	rddreg [dreg:$0xe]  }
0x26: {  	s30 =	sor.u32 $0x80, s29;
	s19 =	rddreg [dreg:$0xf];
	s0 =	sor.u32 s16, s0  }
0x27: {  	s20 =	sadd.s32 $0xFFFFFF80, s1;
	s1 =	ssub.s32 $0x100, s1;
	s16 =	rddreg [dreg:$0xc]  }
0x28: {  	s2 =	sshrl.u32 s2, $0x3;
	s0 =	sshrl.u32 s0, $0x8;
	s3 =	smul.u32 s21, s3  }
0x29: {  	p1 =	sgt.s32 s20, $0x7F;
	s24 =	smul.u32 $0x240000, s16;
	s20 =	rddreg [dreg:$0x10]  }
0x2a: {  	s21 =	rddreg [dreg:$0x11];
	s22 =	smulhi.u32 $0x1555556, s0;
	s1 =	simm.s32 @p1 $0x0  }
0x2b: {  	s1 =	smul.u32 s1, s3;
	s5 =	sadd.s32 s8, s24;
	s8 =	rddreg [dreg:$0x2]  }
0x2c: {  	s4 =	sor.u32 $0x8000, s4;
	s24 =	rddreg [dreg:$0x14];
	s23 =	smul.u32 $0xC0, s22  }
0x2d: {  	s26 =	sadd.s32 s7, s5;
	s22 =	rddreg [dreg:$0x12];
	s1 =	smul.u32 $0x60, s1  }
0x2e: {  	s3 =	sadd.s32 s25, s26;
	s25 =	rddreg [dreg:$0x15];
	s0 =	ssub.s32 s0, s23  }
0x2f: {  	s26 =	rddreg [dreg:$0x16];
	s2 =	sadd.s32 s2, s3;
	s0 =	sshll.u32 s0, $0x5  }
0x30: {  	s23 =	rddreg [dreg:$0x13];
	s1 =	sand.u32 $0x3FFFFFE0, s1;
	s0 =	sadd.s32 s0, s2  }
0x31: {  	[hbm4b:s0+s30] =	stream.strided.scatter [tilespmem:s4], [sflag:$0x2], s1, s31, s30, $0x20;
	[tilespmem:$0x10100] =	vst v63  }
.LBB1_20:
0x32: {  	p1 =	slt.u32 s22, $0x2;
	s0 =	smov.u32 s27;
	s6 =	sadd.s32 $0x80, s18  }
0x33: {  	s7 =	smov.u32 s18;
	p0 =	por !p0, !p0;
	p2 =	sgt.s32 @!p1 s27, $0x1  }
0x34: {  	s1 =	sshra.s32 @!p1 s27, $0x1F;
	s2 =	sshra.s32 @!p1 s26, $0x1F;
	s4 =	sshra.s32 @!p1 s23, $0x1F  }
0x35: {  	p2 =	por !p2, p1;
	s1 =	sand.u32 @!p1 s1, s27;
	s2 =	sand.u32 @!p1 s2, s26  }
0x36: {  	s4 =	sand.u32 @!p1 s4, s23;
	s27 =	smov.u32 s16;
	s16 =	smov.u32 s21  }
0x37: {  	s0 =	simm.s32 @p2 $0x1;
	s1 =	sxor.u32 @!p1 $0xFFFFFFFF, s1;
	p2 =	sgt.s32 @!p1 s26, $0x1  }
0x38: {  	s2 =	sxor.u32 @!p1 $0xFFFFFFFF, s2;
	s0 =	sadd.s32 @!p1 s1, s0;
	p2 =	por !p2, p1  }
0x39: {  	s1 =	smov.u32 s26;
	s26 =	smov.u32 s14;
	s14 =	smov.u32 s19  }
0x3a: {  	s3 =	ssub.s32 @!p1 $0x1, s0;
	s1 =	simm.s32 @p2 $0x1;
	p2 =	sgt.s32 @!p1 s0, $0x0  }
0x3b: {  	s0 =	smul.u32 @!p1 $0x60, s3;
	s1 =	sadd.s32 @!p1 s2, s1;
	p2 =	por !p2, p1  }
0x3c: {  	s2 =	sshra.s32 @!p1 s24, $0x1F;
	s3 =	sshra.s32 @!p1 s25, $0x1F;
	p3 =	sgt.s32 @!p1 s1, $0x0  }
0x3d: {  	s1 =	ssub.s32 @!p1 $0x1, s1;
	s0 =	simm.s32 @!p2 $0x0;
	p2 =	por !p3, p1  }
0x3e: {  	s2 =	sand.u32 @!p1 s2, s24;
	s1 =	simm.s32 @!p2 $0x0;
	p2 =	sgt.s32 @!p1 s24, $0x1  }
0x3f: {  	s0 =	smul.u32 @!p1 s0, s1;
	p2 =	por !p2, p1;
	s1 =	smov.u32 s24  }
0x40: {  	s2 =	sxor.u32 @!p1 $0xFFFFFFFF, s2;
	s1 =	simm.s32 @p2 $0x1;
	p2 =	sgt.s32 @!p1 s25, $0xBF  }
0x41: {  	s1 =	sadd.s32 @!p1 s2, s1;
	p2 =	por !p2, p1;
	s2 =	smov.u32 s25  }
0x42: {  	s3 =	sand.u32 @!p1 s3, s25;
	p3 =	sgt.s32 @!p1 s1, $0x0;
	s2 =	simm.s32 @p2 $0xBF  }
0x43: {  	s1 =	ssub.s32 @!p1 $0x1, s1;
	p2 =	por !p3, p1;
	s2 =	ssub.s32 @!p1 s2, s3  }
0x44: {  	s1 =	simm.s32 @!p2 $0x0;
	s3 =	sadd.s32 @!p1 $0xFFFFFF41, s2;
	p2 =	sgt.s32 @!p1 s23, $0x80  }
0x45: {  	p3 =	sgt.s32 @!p1 s3, $0x0;
	p2 =	por !p2, p1;
	s3 =	smov.u32 s23  }
0x46: {  	s24 =	smov.u32 s12;
	s2 =	ssub.s32 @!p1 $0xC0, s2;
	s3 =	simm.s32 @p2 $0x80  }
0x47: {  	p3 =	por !p3, p1;
	s3 =	ssub.s32 @!p1 s3, s4;
	s4 =	sadd.s32 $0x1, s17  }
0x48: {  	s2 =	simm.s32 @!p3 $0x0;
	s5 =	sadd.s32 @!p1 $0xFFFFFF80, s3;
	p2 =	sgt.s32 s4, $0x1  }
0x49: {  	s0 =	smul.u32 @!p1 s2, s0;
	s2 =	simm.s32 $0x1;
	s7 =	smov.u32 @p2 s6  }
0x4a: {  	s3 =	ssub.s32 @!p1 $0x100, s3;
	p4 =	sgt.s32 @!p1 s5, $0x7F;
	p3 =	sgt.s32 s7, $0xBF  }
0x4b: {  	s4 =	simm.s32 @p2 $0x0;
	s5 =	smov.u32 s20;
	s2 =	simm.s32 @!p3 $0x0  }
0x4c: {  	p4 =	por !p4, p1;
	s0 =	smul.u32 @!p1 s1, s0;
	s1 =	sadd.s32 s2, s19  }
0x4d: {  	s3 =	simm.s32 @!p4 $0x0;
	s2 =	sadd.s32 $0x10, s20;
	p2 =	sgt.s32 s1, $0x1  }
0x4e: {  	s7 =	simm.s32 @p3 $0x0;
	s0 =	smul.u32 @!p1 s3, s0;
	s5 =	smov.u32 @p2 s2  }
0x4f: {  	s3 =	smov.u32 s21;
	s2 =	sadd.s32 $0x2, s21;
	p3 =	sgt.s32 s5, $0xBF  }
0x50: {  	s12 =	smov.u32 s17;
	s25 =	smov.u32 s15;
	s3 =	smov.u32 @p3 s2  }
0x51: {  	s15 =	smov.u32 s20;
	s1 =	simm.s32 @p2 $0x0;
	p2 =	sgt.s32 s3, $0x1  }
0x52: {  	s23 =	smov.u32 s13;
	s3 =	smov.u32 @p2 s8;
	p2 =	sne.s32 s22, s11  }
.Ltmp1:
0x53: {  	s13 =	smov.u32 s18;
	s17 =	smov.u32 s4;
	(pc) =	sbr.rel @!p2 .LBB1_21-.Ltmp1, $4  }
0x54: {  	s18 =	smov.u32 s7;
	s0 =	sand.u32 @!p1 $0x3FFFFFE0, s0;
	s2 =	simm.s32 @!p1 $0x2  }
0x55: {  	s19 =	smov.u32 s1;
	s5 =	smov.u32 @p3 s10;
	_ =	swait.ge @!p1 [sflag:s2], s0  }
0x56: {  	s0 =	ssub.s32 @!p1 $0x0, s0;
	s20 =	smov.u32 s5;
	[sflag:s2] =	ssyncset.done @!p1 $0x0  }
0x57: {  	s22 =	sadd.s32 $0x1, s22;
	[sflag:s2] =	ssyncadd.s32 @!p1 s0;
	s21 =	smov.u32 s3  }
.LBB1_1:
0x58: {  	p1 =	sge.u32 s22, s9  }
.Ltmp2:
0x59: {  	_ = 	snop;
	(pc) =	sbr.rel @p1 .LBB1_3-.Ltmp2, $1  }
0x5a: {  	_ =	sdelay $0x3  }
0x5b: {  	p1 =	sgt.s32 s21, $0x1  }
0x5c: {  	s0 =	sshra.s32 s21, $0x1F;
	p2 =	sgt.s32 s20, $0xBF;
	s1 =	smov.u32 s20  }
0x5d: {  	s2 =	sshra.s32 s20, $0x1F;
	s3 =	smov.u32 s21;
	s28 =	smul.u32 $0x240000, s21  }
0x5e: {  	s5 =	sshra.s32 s19, $0x1F;
	s4 =	sshra.s32 s18, $0x1F;
	s29 =	smul.u32 $0x3000, s20  }
0x5f: {  	s6 =	sshra.s32 s17, $0x1F;
	s30 =	smul.u32 $0x1800, s19;
	s31 =	sxor.u32 $0xFFFFFFFF, s22  }
0x60: {  	s0 =	sand.u32 s0, s21;
	s1 =	simm.s32 @!p2 $0xBF;
	s2 =	sand.u32 s2, s20  }
0x61: {  	s3 =	simm.s32 @!p1 $0x1;
	p2 =	sgt.s32 s19, $0x1;
	s0 =	sxor.u32 $0xFFFFFFFF, s0  }
0x62: {  	s4 =	sand.u32 s4, s18;
	s1 =	ssub.s32 s1, s2;
	s0 =	sadd.s32 s0, s3  }
0x63: {  	s2 =	sadd.s32 $0xFFFFFF41, s1;
	s3 =	sand.u32 s5, s19;
	s1 =	ssub.s32 $0xC0, s1  }
0x64: {  	s5 =	rddreg [dreg:$0x3];
	p1 =	sgt.s32 s2, $0x0;
	s2 =	smov.u32 s19  }
0x65: {  	s3 =	sxor.u32 $0xFFFFFFFF, s3;
	s2 =	simm.s32 @!p2 $0x1;
	p2 =	sgt.s32 s0, $0x0  }
0x66: {  	s1 =	simm.s32 @p1 $0x0;
	p1 =	sgt.s32 s18, $0x40;
	s0 =	sshll.u32 s0, $0x7  }
0x67: {  	s2 =	sadd.s32 s3, s2;
	s3 =	smov.u32 s18;
	s0 =	ssub.s32 $0x80, s0  }
0x68: {  	s3 =	simm.s32 @!p1 $0x40;
	p1 =	sgt.s32 s2, $0x0;
	s0 =	simm.s32 @p2 $0x0  }
0x69: {  	s2 =	ssub.s32 $0x1, s2;
	s3 =	ssub.s32 s3, s4;
	s0 =	smul.u32 s1, s0  }
0x6a: {  	s2 =	simm.s32 @p1 $0x0;
	s4 =	sadd.s32 $0xFFFFFFC0, s3;
	s1 =	ssub.s32 $0xC0, s3  }
0x6b: {  	s3 =	sand.u32 s6, s17;
	p1 =	sgt.s32 s4, $0x7F;
	s0 =	smul.u32 s2, s0  }
0x6c: {  	s2 =	smov.u32 s17;
	s1 =	simm.s32 @p1 $0x0;
	p1 =	sgt.s32 s17, $0x1  }
0x6d: {  	s6 =	sshll.u32 s18, $0x5;
	s3 =	sxor.u32 $0xFFFFFFFF, s3;
	s2 =	simm.s32 @!p1 $0x1  }
0x6e: {  	s0 =	smul.u32 s1, s0;
	s7 =	sadd.s32 s3, s2;
	s2 =	sadd.s32 s5, s28  }
0x6f: {  	s28 =	sshll.u32 s31, $0xE;
	p1 =	sgt.s32 s7, $0x0;
	s1 =	ssub.s32 $0x1, s7  }
0x70: {  	s31 =	simm.s32 $0x100;
	s3 =	sadd.s32 s29, s2;
	s1 =	simm.s32 @p1 $0x0  }
0x71: {  	s7 =	sshll.u32 s17, $0x4;
	s0 =	smul.u32 s1, s0;
	s1 =	sadd.s32 s30, s3  }
0x72: {  	s29 =	sand.u32 $0x4000, s28;
	s3 =	sand.u32 $0x10, s7;
	s1 =	sadd.s32 s6, s1  }
0x73: {  	s30 =	simm.s32 $0x80;
	s0 =	sand.u32 $0x3FFFFF80, s0;
	s1 =	sadd.s32 s3, s1  }
0x74: {  	[tilespmem:s29], [sflag:$0x1] =	stream.strided.gather [hbm4b:s1+s30], s0, s31, s30, $0x38;
	[tilespmem:$0x10100] =	vst v63  }
.LBB1_3:
0x75: {  	s0 =	sadd.s32 $0xFFFFFFFF, s22  }
0x76: {  	p1 =	sge.u32 s0, s9  }
.Ltmp3:
0x77: {  	_ = 	snop;
	(pc) =	sbr.rel @p1 .LBB1_20-.Ltmp3, $1  }
0x78: {  	_ =	sdelay $0x3  }
0x79: {  	[dreg:$0x17] =	wrdreg s27  }
0x7a: {  	[dreg:$0x16] =	wrdreg s26  }
0x7b: {  	[dreg:$0x15] =	wrdreg s25  }
0x7c: {  	[dreg:$0x14] =	wrdreg s24  }
0x7d: {  	[dreg:$0x13] =	wrdreg s23  }
0x7e: {  	[dreg:$0x11] =	wrdreg s21  }
0x7f: {  	[dreg:$0x10] =	wrdreg s20  }
0x80: {  	[dreg:$0xf] =	wrdreg s19  }
0x81: {  	[dreg:$0xe] =	wrdreg s18  }
0x82: {  	[dreg:$0xd] =	wrdreg s17  }
0x83: {  	p1 =	sgt.s32 s16, $0x1;
	s0 =	smov.u32 s16;
	s1 =	sshra.s32 s16, $0x1F  }
0x84: {  	s2 =	smov.u32 s15;
	s3 =	sshra.s32 s15, $0x1F;
	s20 =	sshra.s32 s14, $0x1F  }
0x85: {  	p3 =	sgt.s32 s14, $0x1;
	s24 =	ssub.s32 $0x0, s13;
	[dreg:$0xc] =	wrdreg s16  }
0x86: {  	s25 =	sshra.s32 s13, $0x1F;
	s27 =	sshra.s32 s12, $0x1F;
	[dreg:$0xb] =	wrdreg s15  }
0x87: {  	[dreg:$0xa] =	wrdreg s14;
	s0 =	simm.s32 @!p1 $0x1;
	s1 =	sand.u32 s1, s16  }
0x88: {  	p1 =	sgt.s32 s15, $0xBF;
	s18 =	sand.u32 s3, s15;
	s1 =	sxor.u32 $0xFFFFFFFF, s1  }
0x89: {  	s26 =	sand.u32 s24, s25;
	s2 =	simm.s32 @!p1 $0xBF;
	s0 =	sadd.s32 s1, s0  }
0x8a: {  	s1 =	ssub.s32 s2, s18;
	s2 =	sand.u32 s20, s14;
	p1 =	sgt.s32 s0, $0x0  }
0x8b: {  	s3 =	ssub.s32 $0x1, s0;
	s19 =	sadd.s32 $0xFFFFFF41, s1;
	s0 =	smov.u32 s14  }
0x8c: {  	s4 =	ssub.s32 $0xC0, s1;
	s21 =	sxor.u32 $0xFFFFFFFF, s2;
	s2 =	sand.u32 s27, s12  }
0x8d: {  	p2 =	sgt.s32 s19, $0x0;
	s0 =	simm.s32 @!p3 $0x1;
	s3 =	simm.s32 @p1 $0x0  }
0x8e: {  	s2 =	sxor.u32 $0xFFFFFFFF, s2;
	s4 =	simm.s32 @p2 $0x0;
	s0 =	sadd.s32 s21, s0  }
0x8f: {  	p2 =	sgt.s32 s13, $0x40;
	[dreg:$0x19] =	wrdreg s4;
	s23 =	smul.u32 s3, s4  }
0x90: {  	p1 =	sgt.s32 s0, $0x0;
	s4 =	smov.u32 s13;
	s5 =	ssub.s32 $0x1, s0  }
0x91: {  	[dreg:$0x18] =	wrdreg s3;
	s4 =	simm.s32 @!p2 $0x40;
	s5 =	simm.s32 @p1 $0x0  }
0x92: {  	p1 =	sgt.s32 s12, $0x1;
	s0 =	sadd.s32 s26, s4;
	s4 =	smov.u32 s12  }
0x93: {  	s1 =	smul.u32 s5, s23;
	s28 =	sadd.s32 $0xFFFFFFC0, s0;
	s4 =	simm.s32 @!p1 $0x1  }
0x94: {  	s0 =	ssub.s32 $0xC0, s0;
	p2 =	sgt.s32 s28, $0x7F;
	s2 =	sadd.s32 s2, s4  }
0x95: {  	s0 =	simm.s32 @p2 $0x0;
	p1 =	sgt.s32 s2, $0x0;
	s3 =	ssub.s32 $0x1, s2  }
0x96: {  	s0 =	smul.u32 s0, s1;
	s1 =	sadd.s32 $0x1, s16;
	s3 =	simm.s32 @p1 $0x0  }
0x97: {  	s2 =	sadd.s32 $0x1, s15;
	p1 =	slt.s32 s1, $0x2;
	[dreg:$0x1c] =	wrdreg s3  }
0x98: {  	s0 =	smul.u32 s3, s0;
	s1 =	simm.s32 @!p1 $0x2;
	p1 =	slt.s32 s2, $0xC0  }
0x99: {  	s29 =	ssub.s32 s1, s16;
	s2 =	simm.s32 @!p1 $0xC0;
	s1 =	sadd.s32 $0x1, s14  }
0x9a: {  	s4 =	ssub.s32 s2, s15;
	p2 =	slt.s32 s1, $0x2;
	p1 =	slt.s32 s29, $0x1  }
0x9b: {  	s2 =	sadd.s32 $0x80, s13;
	s1 =	simm.s32 @!p2 $0x2;
	p2 =	slt.s32 @!p1 s4, $0x1  }
0x9c: {  	p3 =	slt.s32 s2, $0xC0;
	s10 =	ssub.s32 s1, s14;
	p2 =	por p1, p2  }
0x9d: {  	s2 =	simm.s32 @!p3 $0xC0;
	s1 =	sadd.s32 $0x1, s12;
	p3 =	slt.s32 @!p2 s10, $0x1  }
0x9e: {  	s3 =	ssub.s32 s2, s13;
	p2 =	por p2, p3;
	p3 =	slt.s32 s1, $0x2  }
0x9f: {  	[dreg:$0x9] =	wrdreg s13;
	s1 =	simm.s32 @!p3 $0x2;
	p3 =	slt.s32 @!p2 s3, $0x1  }
0xa0: {  	[dreg:$0x1e] =	wrdreg s4;
	s4 =	ssub.s32 s1, s12;
	p2 =	por p2, p3  }
0xa1: {  	[dreg:$0x8] =	wrdreg s12;
	p3 =	slt.s32 @!p2 s4, $0x1  }
0xa2: {  	[dreg:$0x1a] =	wrdreg s26;
	p2 =	por p2, p3  }
.Ltmp4:
0xa3: {  	[dreg:$0x1b] =	wrdreg s5;
	s0 =	sshll.u32 s0, $0x7;
	(pc) =	sbr.rel @p2 .LBB1_19-.Ltmp4, $4  }
0xa4: {  	s30 =	simm.s32 $0x1;
	[dreg:$0x1d] =	wrdreg s29;
	s0 =	sand.u32 $0x3FFFFF80, s0  }
0xa5: {  	s31 =	sand.u32 $0x1, s22;
	_ =	swait.ge [sflag:s30], s0  }
0xa6: {  	s0 =	ssub.s32 $0x0, s0;
	[dreg:$0x12] =	wrdreg s22;
	[sflag:s30] =	ssyncset.done $0x0  }
0xa7: {  	[dreg:$0x1f] =	wrdreg s31;
	[sflag:s30] =	ssyncadd.s32 s0  }
0xa8: {  	s0 =	simm.s32 $0x1  }
0xa9: {  	s0 =	simm.s32 @!p0 $0x0  }
0xaa: {  	s0 =	smul.u32 $0x10200, s0;
	_ =	sdelay $0x1  }
0xab: {  	s0 =	sshrl.u32 s0, $0x2  }
0xac: {  	s1 =	sadd.s32 $0xA850, s0;
	s27 =	sadd.s32 $0xA040, s0  }
0xad: {  	s29 =	sadd.s32 $0x9830, s0;
	s31 =	sadd.s32 $0x9020, s0;
	s6 =	sadd.s32 $0x8810, s0  }
.Ltmp5:
0xae: {  	s30 =	sor.u32 $0x8000, s0;
	s0 =	rddreg [dreg:$0x1f];
	(pc) =	sbr.rel .LBB1_6-.Ltmp5, $4  }
0xaf: {  	[smem:$0x7FA] =	sst s1  }
0xb0: {  	[smem:$0x7FB] =	sst s27  }
0xb1: {  	[smem:$0x7FC] =	sst s29  }
0xb2: {  	s28 =	simm.s32 $0x0;
	[smem:$0x7FD] =	sst s31;
	s11 =	sshll.u32 @!p1 s0, $0xE  }
.LBB1_18:
0xb3: {  	s0 =	sld [smem:$0x7FA]  }
0xb4: {  	s26 =	sld [smem:$0x7FB]  }
0xb5: {  	s28 =	sadd.s32 $0x1, s28;
	s29 =	rddreg [dreg:$0x1d]  }
0xb6: {  	s27 =	sld [smem:$0x7FC];
	p1 =	sne.s32 s28, s29  }
.Ltmp6:
0xb7: {  	s31 =	sld [smem:$0x7FD];
	s0 =	sadd.s32 $0x4080, s0;
	(pc) =	sbr.rel @!p1 .LBB1_19-.Ltmp6, $4  }
0xb8: {  	[smem:$0x7FA] =	sst s0;
	s0 =	sadd.s32 $0x4080, s26  }
0xb9: {  	[smem:$0x7FB] =	sst s0;
	s0 =	sadd.s32 $0x4080, s27  }
0xba: {  	[smem:$0x7FC] =	sst s0;
	s0 =	sadd.s32 $0x4080, s31  }
0xbb: {  	s6 =	sadd.s32 $0x4080, s6;
	s30 =	sadd.s32 $0x4080, s30;
	[smem:$0x7FD] =	sst s0  }
.LBB1_6:
.Ltmp7:
0xbc: {  	(pc) =	sbr.rel .LBB1_7-.Ltmp7, $2  }
0xbd: {  	_ =	sdelay $0x2  }
0xbe: {  	s29 =	simm.s32 $0x0;
	s31 =	simm.s32 $0x0  }
.LBB1_17:
0xbf: {  	s31 =	sadd.s32 $0x1, s31;
	s0 =	rddreg [dreg:$0x1e]  }
0xc0: {  	p1 =	sne.s32 s31, s0  }
.Ltmp8:
0xc1: {  	_ = 	snop;
	(pc) =	sbr.rel @!p1 .LBB1_18-.Ltmp8, $2  }
0xc2: {  	_ =	sdelay $0x2  }
0xc3: {  	s29 =	sadd.s32 $0x1, s29  }
.LBB1_7:
0xc4: {  	s0 =	sand.u32 $0x7, s29;
	s25 =	sld [smem:$0x7FA]  }
0xc5: {  	s1 =	sld [smem:$0x7FB];
	s0 =	smul.u32 $0x204, s0  }
.Ltmp9:
0xc6: {  	s26 =	sld [smem:$0x7FC];
	(pc) =	sbr.rel .LBB1_8-.Ltmp9, $4  }
0xc7: {  	s27 =	sld [smem:$0x7FD]  }
0xc8: {  	s19 =	sadd.s32 s28, s31;
	s24 =	simm.s32 $0x0;
	s2 =	sshrl.u32 s0, $0x2  }
0xc9: {  	s0 =	sadd.s32 s2, s25;
	s20 =	sadd.s32 s2, s1;
	s9 =	sadd.s32 s2, s26  }
0xca: {  	s13 =	sadd.s32 s2, s27;
	s1 =	sadd.s32 s2, s6;
	s18 =	sadd.s32 s2, s30  }
.LBB1_16:
0xcb: {  	s24 =	sadd.s32 $0x1, s24  }
0xcc: {  	p1 =	sne.s32 s24, s10  }
.Ltmp10:
0xcd: {  	_ = 	snop;
	(pc) =	sbr.rel @!p1 .LBB1_17-.Ltmp10, $3  }
0xce: {  	_ =	sdelay $0x1  }
0xcf: {  	s0 =	sadd.s32 $0x81, s0;
	s20 =	sadd.s32 $0x81, s20;
	s9 =	sadd.s32 $0x81, s9  }
0xd0: {  	s13 =	sadd.s32 $0x81, s13;
	s1 =	sadd.s32 $0x81, s1;
	s18 =	sadd.s32 $0x81, s18  }
.LBB1_8:
0xd1: {  	s2 =	sadd.s32 s24, s19  }
0xd2: {  	s2 =	sshll.u32 s2, $0x10  }
0xd3: {  	s2 =	sshra.s32 s2, $0x2  }
0xd4: {  	s26 =	simm.s32 $0x0;
	s15 =	simm.s32 $0x0;
	s25 =	sadd.s32 s2, s11  }
.LBB1_9:
0xd5: {  	s2 =	sshll.u32 s15, $0x9  }
0xd6: {  	s2 =	sshra.s32 s2, $0x2  }
0xd7: {  	s2 =	sadd.s32 s2, s25  }
0xd8: {  	v0 =	vmov s2;
	_ =	sdelay $0x2  }
0xd9: {  	s22 =	simm.s32 $0x0  }
0xda: {  	p2 =	sne.s32 s4, $0x1;
	s5 =	sand.u32 $0x80, s22  }
.Ltmp11:
0xdb: {  	v11 =	vld.idx.msk [tilespmem:v0+s5+$0x50 ss:$0x1], $0xffff;
	(pc) =	sbr.rel @!p2 .LBB1_10-.Ltmp11, $4  }
0xdc: {  	s23 =	sand.u32 $0x7F, s26;
	v10 =	vld.idx.msk [tilespmem:v0+s5+$0x0 ss:$0x1], $0xffff  }
0xdd: {  	s2 =	sshll.u32 s23, $0x2;
	v9 =	vld.idx.msk [tilespmem:v0+s5+$0x10 ss:$0x1], $0xffff  }
0xde: {  	s7 =	simm.s32 $0x80;
	s27 =	sshrl.u32 s2, $0x2;
	v8 =	vld.idx.msk [tilespmem:v0+s5+$0x20 ss:$0x1], $0xffff  }
0xdf: {  	p1 =	por $0x0, $0x0;
	s2 =	sadd.s32 $0xFFFFFFFF, s4;
	s21 =	sadd.s32 s27, s0;
	v6 =	vld.idx.msk [tilespmem:v0+s5+$0x30 ss:$0x1], $0xffff  }
0xe0: {  	_ =	sdelay $0x3  }
0xe1: {  	s22 =	sand.u32 $0x80, s7;
	v1 =	vld.idx.msk [tilespmem:v0+s5+$0x40 ss:$0x1], $0xffff;
	s16 =	sadd.s32 s27, s18;
	p2 =	sne.s32 s2, $0x1  }
.Ltmp12:
0xe2: {  	[tilespmem:s21+$0x0 ss:$0x81] =	vst.msk $0xffff, v11;
	s17 =	sadd.s32 s27, s1;
	s5 =	sadd.s32 $0xFFFFFFFF, s2;
	v2 =	vld.idx.msk [tilespmem:v0+s22+$0x50 ss:$0x1], $0xffff;
	(pc) =	sbr.rel @!p2 .LBB1_12-.Ltmp12, $4  }
0xe3: {  	s21 =	sadd.s32 s27, s13;
	s8 =	sadd.s32 $0x81, s0;
	s23 =	sadd.s32 s27, s9;
	v3 =	vld.idx.msk [tilespmem:v0+s22+$0x0 ss:$0x1], $0xffff;
	[tilespmem:s16+$0x0 ss:$0x81] =	vst.msk $0xffff, v10  }
0xe4: {  	s7 =	simm.s32 $0x100;
	s2 =	sadd.s32 s27, s20;
	p1 =	por $0x1, $0x1;
	v4 =	vld.idx.msk [tilespmem:v0+s22+$0x10 ss:$0x1], $0xffff;
	[tilespmem:s17+$0x0 ss:$0x81] =	vst.msk $0xffff, v9  }
0xe5: {  	s14 =	smov.u32 s13;
	s12 =	smov.u32 s9;
	v5 =	vld.idx.msk [tilespmem:v0+s22+$0x20 ss:$0x1], $0xffff;
	s16 =	smov.u32 s1;
	[tilespmem:s21+$0x0 ss:$0x81] =	vst.msk $0xffff, v8  }
0xe6: {  	v7 =	vld.idx.msk [tilespmem:v0+s22+$0x30 ss:$0x1], $0xffff;
	s17 =	sadd.s32 $0x81, s18;
	s21 =	sadd.s32 s27, s8;
	[tilespmem:s23+$0x0 ss:$0x81] =	vst.msk $0xffff, v6;
	s23 =	smov.u32 s20  }
.LBB1_13:
0xe7: {  	p2 =	sne.s32 s5, $0x1;
	s5 =	sadd.s32 $0xFFFFFFFF, s5;
	[tilespmem:s2+$0x0 ss:$0x81] =	vst.msk $0xffff, v1;
	v1 =	vld.idx.msk [tilespmem:v0+s22+$0x40 ss:$0x1], $0xffff;
	s22 =	sand.u32 $0x80, s7  }
.Ltmp13:
0xe8: {  	s2 =	sadd.s32 s27, s17;
	s16 =	sadd.s32 $0x81, s16;
	[tilespmem:s21+$0x0 ss:$0x81] =	vst.msk $0xffff, v2;
	v2 =	vld.idx.msk [tilespmem:v0+s22+$0x50 ss:$0x1], $0xffff;
	(pc) =	sbr.rel @p2 .LBB1_13-.Ltmp13, $4  }
0xe9: {  	s14 =	sadd.s32 $0x81, s14;
	[tilespmem:s2+$0x0 ss:$0x81] =	vst.msk $0xffff, v3;
	v3 =	vld.idx.msk [tilespmem:v0+s22+$0x0 ss:$0x1], $0xffff;
	s2 =	sadd.s32 s27, s16  }
0xea: {  	s23 =	sadd.s32 $0x81, s23;
	s12 =	sadd.s32 $0x81, s12;
	[tilespmem:s2+$0x0 ss:$0x81] =	vst.msk $0xffff, v4;
	v4 =	vld.idx.msk [tilespmem:v0+s22+$0x10 ss:$0x1], $0xffff;
	s2 =	sadd.s32 s27, s14  }
0xeb: {  	s8 =	sadd.s32 $0x81, s8;
	s17 =	sadd.s32 $0x81, s17;
	[tilespmem:s2+$0x0 ss:$0x81] =	vst.msk $0xffff, v5;
	v5 =	vld.idx.msk [tilespmem:v0+s22+$0x20 ss:$0x1], $0xffff;
	s2 =	sadd.s32 s27, s12  }
0xec: {  	s7 =	sadd.s32 $0x80, s7;
	s21 =	sadd.s32 s27, s8;
	[tilespmem:s2+$0x0 ss:$0x81] =	vst.msk $0xffff, v7;
	v7 =	vld.idx.msk [tilespmem:v0+s22+$0x30 ss:$0x1], $0xffff;
	s2 =	sadd.s32 s27, s23  }
0xed: {  	_ =	sdelay $0x3  }
0xee: {  	s5 =	smov.u32 s22;
	v11 =	vmovc v2;
	v10 =	vmovc v3;
	v9 =	vmov v4;
	v8 =	vmov v5;
	v6 =	vmov v7  }
.LBB1_15:
0xef: {  	[tilespmem:s2+$0x0 ss:$0x81] =	vst.msk @p1 $0xffff, v1;
	s2 =	sadd.s32 @p1 $0x81, s16;
	s7 =	smov.u32 s1  }
0xf0: {  	s8 =	smov.u32 s13;
	s7 =	smov.u32 @p1 s2;
	s2 =	sadd.s32 @p1 $0x81, s14  }
0xf1: {  	[tilespmem:s21+$0x0 ss:$0x81] =	vst.msk $0xffff, v11;
	s15 =	sadd.s32 $0x1, s15;
	s21 =	sadd.s32 s27, s7;
	s8 =	smov.u32 @p1 s2  }
0xf2: {  	s2 =	sadd.s32 @p1 $0x81, s12;
	s7 =	smov.u32 s9;
	s22 =	sadd.s32 s27, s8  }
0xf3: {  	s8 =	sadd.s32 @p1 $0x81, s23;
	s7 =	smov.u32 @p1 s2;
	s2 =	smov.u32 s20  }
0xf4: {  	v0 =	vld.idx.msk [tilespmem:v0+s5+$0x40 ss:$0x1], $0xffff;
	s17 =	sadd.s32 s27, s17;
	s2 =	smov.u32 @p1 s8;
	p1 =	sne.s32 s15, s3  }
.Ltmp14:
0xf5: {  	[tilespmem:s17+$0x0 ss:$0x81] =	vst.msk $0xffff, v10;
	(pc) =	sbr.rel @p1 .LBB1_9-.Ltmp14, $4  }
.Ltmp15:
0xf6: {  	[tilespmem:s21+$0x0 ss:$0x81] =	vst.msk $0xffff, v9;
	(pc) =	sbr.rel @!p1 .LBB1_16-.Ltmp15, $4  }
0xf7: {  	[tilespmem:s22+$0x0 ss:$0x81] =	vst.msk $0xffff, v8;
	s23 =	sadd.s32 s27, s7  }
0xf8: {  	[tilespmem:s23+$0x0 ss:$0x81] =	vst.msk $0xffff, v6;
	s2 =	sadd.s32 s27, s2  }
0xf9: {  	s26 =	sadd.s32 $0x1, s26;
	[tilespmem:s2+$0x0 ss:$0x81] =	vst.msk $0xffff, v0  }
0xfa: {  	_ = 	snop  }
.LBB1_10:
.Ltmp16:
0xfb: {  	(pc) =	sbr.rel .LBB1_15-.Ltmp16, $3  }
0xfc: {  	_ =	sdelay $0x1  }
0xfd: {  	s17 =	smov.u32 s18;
	s16 =	smov.u32 s1  }
0xfe: {  	s14 =	smov.u32 s13;
	s23 =	smov.u32 s20;
	s12 =	smov.u32 s9  }
.LBB1_12:
.Ltmp17:
0xff: {  	_ = 	snop;
	(pc) =	sbr.rel .LBB1_15-.Ltmp17, $3  }
0x100: {  	_ =	sdelay $0x1  }
0x101: {  	s5 =	smov.u32 s22;
	s16 =	smov.u32 s1  }
0x102: {  	v11 =	vmovc v2;
	s14 =	smov.u32 s13;
	s23 =	smov.u32 s20;
	s12 =	smov.u32 s9;
	v10 =	vmovc v3;
	v9 =	vmov v4;
	v8 =	vmov v5;
	v6 =	vmov v7  }
.LBB1_21:
0x103: {  	_ =	sfence.sel $0x180000  }
0x104: {  	s0 =	simm.s32 $0x1;
	[bflag:$0x0] =	sbarrier.arrive $0xFFFF  }
0x105: {  	s30 =	simm.s32 $0x2;
	[sflag:s0] =	ssyncpa.u1 $0x1  }
0x106: {  	[sflag:s30] =	ssyncpa.u1 $0x1  }
0x107: {  	_ =	strace $0x90000047  }
0x108: {  	s31 =	stileid.u32;
	[bflag:$0x2] =	sbarrier.arrive $0xFFFF  }
0x109: {  	p0 =	sne.s32 s31, $0x0;
	s0 =	rddreg [dreg:$0x1]  }
0x10a: {  	s0 =	sadd.s32 @!p0 $0x100000, s0  }
0x10b: {  	[sflag:s0] =	ssyncadd.tile.s32 @!p0 $0x1;
	_ =	shalt  }
.Lfunc_end1:
_tile_overlayer_lowered:
.L_overlay_start_2:
0x10c: {  	(tag) =	ssettag $0x2  }
0x10d: {  	s0 =	rddreg [dreg:$0x0];
	s2 =	stileid.u32  }
0x10e: {  	s1 =	rddreg [dreg:$0x1];
	p0 =	sne.s32 s2, $0x0  }
0x10f: {  	s3 =	rddreg [dreg:$0x2];
	[bflag:$0x3] =	sbarrier.arrive $0xFFFF;
	s2 =	simm.s32 @!p0 $0x1C01  }
0x110: {  	[timem:s3], [sflag:s2] =	dma.local @!p0 [hbm:s0], s1  }
0x111: {  	s0 =	simm.s32 @!p0 $0x1  }
0x112: {  	_ =	swait.ge @!p0 [sflag:s0], s1  }
0x113: {  	s1 =	ssub.s32 @!p0 $0x0, s1;
	[sflag:s0] =	ssyncset.done @!p0 $0x0  }
0x114: {  	[sflag:s0] =	ssyncadd.s32 @!p0 s1  }
0x115: {  	[bflag:$0x3] =	sbarrier.arrive $0xFFFF  }
0x116: {  	_ =	shalt  }

// kernel: sparse-core-data-format-call.cloned.1.call-start
scs
called_computation_lowered:
.L_overlay_start_0:
0x0: {  	s2 =	sld [smem:$0x3FD9]  }
0x1: {  	s3 =	sld [smem:$0x3FFE];
	_ =	sdelay $0x1  }
0x2: {  	s1 =	srdreg.scid  }
0x3: {  	s0 =	sand.u32 $0x1, s1  }
0x4: {  	s18 =	sshll.u32 s0, $0xA;
	s2 =	sadd.s32 s3, s2  }
0x5: {  	s2 =	sadd.s32 s2, s18  }
0x6: {  	[smem:$0x3FC5] =	sst s2  }
0x7: {  	_ = 	snop  }
0x8: {  	s2 =	sld [smem:$0x3FD0];
	(tm) =	ssettm $0x1  }
0x9: {  	s19 =	sld [smem:$0x3FFB];
	_ =	sdelay $0x3  }
0xa: {  	_ =	strace s19  }
0xb: {  	s3 =	sld [smem:$0x3FFC];
	_ =	sdelay $0x3  }
0xc: {  	_ =	strace s3  }
0xd: {  	s3 =	sld [smem:$0x3FFD];
	_ =	sdelay $0x3  }
0xe: {  	_ =	strace s3  }
0xf: {  	_ =	strace $0x8FFFFFFF  }
0x10: {  	s20 =	sld [smem:$0x3FDB];
	_ =	sdelay $0x1  }
0x11: {  	s4 =	simm.s32 $_scs_section_size  }
0x12: {  	s5 =	simm.s32 $_size__tile_overlayer_lowered;
	s6 =	simm.s32 $_tile_overlayer_lowered  }
0x13: {  	s23 =	simm.s32 $0x1BFF;
	s22 =	sshll.u32 s6, $0x1;
	s3 =	sadd.s32 s4, s20  }
0x14: {  	s7 =	simm.s32 $0x0;
	s21 =	sshll.u32 s5, $0x1;
	s5 =	sadd.s32 s22, s3  }
0x15: {  	[timem:s7], [sflag:s23] =	dma.local [hbm:s5], s21  }
0x16: {  	_ =	swait.ge [sflag:s23], s21  }
0x17: {  	s4 =	ssub.s32 $0x0, s21;
	[sflag:s23] =	ssyncset.done $0x0  }
0x18: {  	[sflag:s23] =	ssyncadd.s32 s4;
	_ =	sdelay $0x1  }
0x19: {  	s24 =	simm.s32 $0x1B8B  }
0x1a: {  	_ =	swait.ge [sflag:s24], $0x1  }
0x1b: {  	[sflag:s24] =	ssyncset.done $0x0  }
0x1c: {  	s26 =	simm.s32 $0x1B8E;
	s25 =	sld [smem:$0x3FFE];
	[sflag:s24] =	ssyncadd.s32 $0xFFFFFFFF  }
0x1d: {  	s27 =	simm.s32 $execute0_lowered;
	[smem:$0x3FD2] =	sst s26  }
0x1e: {  	s5 =	sshll.u32 s27, $0x1;
	_ =	strace $0x8000004F;
	[dreg:$0x1] =	wrdreg $0xFFFFFFFF  }
0x1f: {  	s28 =	simm.s32 $_size_execute0_lowered;
	s3 =	sadd.s32 s3, s5;
	[dreg:$0x0] =	wrdreg $0x0  }
0x20: {  	s5 =	sshll.u32 s28, $0x1;
	[dreg:$0x2] =	wrdreg s3  }
0x21: {  	[dreg:$0x3] =	wrdreg s5  }
0x22: {  	[dreg:$0x4] =	wrdreg $0xC0  }
0x23: {  	_ =	task [dreg:s7], $0x5FFFF  }
0x24: {  	[dreg:$0x1] =	wrdreg $0xFFFFFFFF  }
0x25: {  	[dreg:$0x0] =	wrdreg $0x60  }
0x26: {  	[dreg:$0x2] =	wrdreg s25  }
0x27: {  	[dreg:$0x3] =	wrdreg s2  }
0x28: {  	[dreg:$0x4] =	wrdreg $0x9  }
0x29: {  	_ =	task.clear_ibuf [dreg:s7], $0x5FFFF;
	_ =	strace $0x9000004F  }
0x2a: {  	s29 =	simm.s32 $0x9;
	_ =	strace $0x80000051  }
0x2b: {  	_ =	swait.ge [sflag:s29], $0x1  }
0x2c: {  	[sflag:s29] =	ssyncadd.s32 $0xFFFFFFFF  }
0x2d: {  	_ =	strace $0x90000051  }
0x2e: {  	_ =	sfence  }
0x2f: {  	s30 =	sld [smem:$0x0];
	_ =	sdelay $0x2  }
0x30: {  	s31 =	sshll.u32 s1, $0xD;
	s1 =	sshrl.u32 s1, $0x2  }
0x31: {  	s3 =	sand.u32 $0x4000, s31;
	s1 =	sadd.s32 s1, s30  }
0x32: {  	s0 =	sor.u32 s3, s0;
	s1 =	sshll.u32 s1, $0x11  }
0x33: {  	s0 =	sor.u32 s1, s0  }
0x34: {  	s0 =	sadd.s32 $0x8F2B, s0  }
0x35: {  	[sflag:s0] =	ssyncadd.remote.s32 $0x1  }
0x36: {  	_ =	sfence.sel $0xFFFF  }
0x37: {  	[dreg:$0x0] =	wrdreg $0xFFFFFFFF;
	(pc) =	sbr.abs _section_cstart, $3  }
0x38: {  	[dreg:$0x1] =	wrdreg $0xFFFFFFFF  }
0x39: {  	_ =	task.clear_ibuf [dreg:s7], $0x2FFFF;
	_ =	strace $0x9FFFFFFF  }
0x3a: {  	(tm) =	ssettm $0x7FFFFFFF  }
0x3b: {  	_ =	shalt  }
tec
execute0_lowered:
.L_overlay_start_1:
0x0: {  	(tag) =	ssettag $0x1  }
0x1: {  	s4 =	rddreg [dreg:$0x0]  }
0x2: {  	s2 =	rddreg [dreg:$0x1]  }
0x3: {  	s1 =	stileid.u32;
	s0 =	rddreg [dreg:$0x2];
	_ =	strace $0x80000050  }
0x4: {  	s5 =	srdreg.scid;
	s8 =	simm.s32 $0x2;
	s17 =	simm.s32 $0x0  }
0x5: {  	p0 =	por $0x0, $0x0;
	s9 =	simm.s32 $0x24000;
	s18 =	simm.s32 $0x0  }
0x6: {  	s19 =	simm.s32 $0x0;
	s10 =	simm.s32 $0x0;
	s11 =	simm.s32 $0x0  }
0x7: {  	s12 =	simm.s32 $0x0;
	s13 =	simm.s32 $0x0;
	s3 =	sand.u32 $0x1, s1  }
0x8: {  	s16 =	simm.s32 $0x0;
	s5 =	sshll.u32 s5, $0x4;
	s6 =	ssub.s32 $0x2, s3  }
.Ltmp0:
0x9: {  	s7 =	sshrl.u32 s6, $0x1;
	s6 =	sand.u32 $0x1, s6;
	(pc) =	sbr.rel .LBB1_1-.Ltmp0, $4  }
0xa: {  	s4 =	sadd.s32 $0x7E1800, s4;
	s5 =	sand.u32 $0x10, s5;
	s6 =	sadd.s32 s6, s7  }
0xb: {  	s31 =	sor.u32 s1, s5;
	s5 =	simm.s32 $0x1;
	s6 =	smul.u32 $0x48, s6  }
0xc: {  	s15 =	smov.u32 s3;
	s7 =	sshrl.u32 s31, $0x1;
	[sflag:s5] =	ssyncpa.u1 $0x0  }
0xd: {  	[sflag:s8] =	ssyncpa.u1 $0x0;
	s14 =	smov.u32 s7;
	s8 =	sor.u32 $0x1, s6  }
.LBB1_4:
0xe: {  	s25 =	sshrl.u32 s11, $0x3  }
0xf: {  	s26 =	sshll.u32 s10, $0x3;
	s27 =	sshll.u32 s11, $0x7;
	[tilespmem:s22+$0x2040 ss:$0x81] =	vst.msk $0xffff, v4;
	s25 =	smul.u32 $0xC00, s25  }
0x10: {  	s29 =	sand.u32 $0x7F, s10;
	s24 =	sshra.s32 s24, $0x2;
	[tilespmem:s22+$0x2850 ss:$0x81] =	vst.msk $0xffff, v3;
	s26 =	sand.u32 $0xFFFFFC00, s26  }
0x11: {  	p1 =	sgt.s32 s12, $0x1;
	[tilespmem:s22+$0x3060 ss:$0x81] =	vst.msk $0xffff, v2;
	s28 =	sand.u32 $0x380, s27;
	s25 =	sadd.s32 s25, s26  }
0x12: {  	[tilespmem:s22+$0x0 ss:$0x81] =	vst.msk $0xffff, v1;
	s22 =	sshra.s32 s10, $0x1F;
	s23 =	sadd.s32 s24, s23;
	s25 =	sor.u32 s28, s25  }
0x13: {  	s22 =	sand.u32 s22, s10;
	s28 =	sshra.s32 s12, $0x1F;
	s26 =	sor.u32 s29, s25  }
0x14: {  	s25 =	smulhi.u32 $0xAAAAAAAB, s25;
	s29 =	smov.u32 s12;
	s28 =	sand.u32 s28, s12  }
0x15: {  	s27 =	smulhi.u32 $0xAAAAAAAB, s26;
	s29 =	simm.s32 @!p1 $0x1;
	s30 =	sxor.u32 $0xFFFFFFFF, s28  }
0x16: {  	p1 =	sgt.s32 s11, $0x17F;
	s25 =	sshrl.u32 s25, $0x8;
	s24 =	sadd.s32 s30, s29  }
0x17: {  	s29 =	smov.u32 s11;
	s30 =	sshra.s32 s11, $0x1F;
	s27 =	sshrl.u32 s27, $0x8  }
0x18: {  	v5 =	vld [tilespmem:s21+$0xFFFFFFD0];
	s31 =	ssub.s32 $0x1, s24;
	s29 =	simm.s32 @!p1 $0x17F;
	s30 =	sand.u32 s30, s11  }
0x19: {  	v58 =	vld [tilespmem:s21+$0xFFFFFFE0];
	p1 =	sgt.s32 s24, $0x0;
	s28 =	smul.u32 $0x60, s31;
	s24 =	ssub.s32 s29, s30  }
0x1a: {  	v59 =	vld [tilespmem:s21+$0xFFFFFFF0];
	s31 =	smulhi.u32 $0xAAAAAB, s25;
	s30 =	smov.u32 s10;
	s29 =	sadd.s32 $0xFFFFFE81, s24  }
0x1b: {  	v60 =	vld [tilespmem:s21+$0x0];
	s24 =	ssub.s32 $0x180, s24;
	s28 =	simm.s32 @p1 $0x0;
	p1 =	sgt.s32 s10, $0x100  }
0x1c: {  	v61 =	vld [tilespmem:s21+$0x10];
	[tilespmem:s23+$0x3870 ss:$0x81] =	vst.msk $0xffff, v0;
	s31 =	smul.u32 $0x180, s31;
	s30 =	simm.s32 @!p1 $0x100;
	p1 =	sgt.s32 s29, $0x0  }
0x1d: {  	v62 =	vld [tilespmem:s21+$0x20];
	[tilespmem:s23+$0x810 ss:$0x81] =	vst.msk $0xffff, v5;
	s27 =	smul.u32 $0x180, s27;
	s22 =	ssub.s32 s30, s22;
	s24 =	simm.s32 @p1 $0x0  }
0x1e: {  	v63 =	vld [tilespmem:s21+$0xFFFFFFC0];
	[tilespmem:s23+$0x1020 ss:$0x81] =	vst.msk $0xffff, v58;
	s29 =	ssub.s32 s25, s31;
	s31 =	smul.u32 $0x1B0000, s12;
	s30 =	sadd.s32 $0xFFFFFF00, s22  }
0x1f: {  	[tilespmem:s23+$0x1830 ss:$0x81] =	vst.msk $0xffff, v59;
	s24 =	smul.u32 s28, s24;
	s22 =	ssub.s32 $0x180, s22;
	p1 =	sgt.s32 s30, $0x7F  }
0x20: {  	[tilespmem:s23+$0x2040 ss:$0x81] =	vst.msk $0xffff, v60;
	s26 =	ssub.s32 s26, s27;
	s21 =	smul.u32 $0x30, s29;
	s22 =	simm.s32 @p1 $0x0  }
0x21: {  	[tilespmem:s23+$0x2850 ss:$0x81] =	vst.msk $0xffff, v61;
	s29 =	sand.u32 $0x7, s26;
	s28 =	sadd.s32 s2, s31;
	s22 =	smul.u32 s22, s24  }
0x22: {  	[tilespmem:s23+$0x3060 ss:$0x81] =	vst.msk $0xffff, v62;
	s30 =	sshrl.u32 s26, $0x3;
	s25 =	sshll.u32 s29, $0x12;
	s21 =	sadd.s32 s21, s28  }
0x23: {  	[tilespmem:s23+$0x0 ss:$0x81] =	vst.msk $0xffff, v63;
	s31 =	sor.u32 $0x80, s25;
	s21 =	sadd.s32 s30, s21;
	s22 =	sand.u32 $0x3FFFFFE0, s22  }
0x24: {  	[hbm4b:s21+s31] =	stream.strided.scatter [tilespmem:s20], [sflag:$0x2], s22, s9, s31, $0x20;
	[tilespmem:$0x10100] =	vst v63  }
.LBB1_5:
0x25: {  	p1 =	slt.u32 s16, $0x2  }
0x26: {  	s20 =	smov.u32 s19;
	p2 =	sgt.s32 @!p1 s19, $0x1;
	s21 =	sshra.s32 @!p1 s19, $0x1F  }
0x27: {  	s22 =	sshra.s32 @!p1 s18, $0x1F;
	p3 =	sgt.s32 @!p1 s17, $0x100;
	p2 =	por !p2, p1  }
0x28: {  	s19 =	sand.u32 @!p1 s21, s19;
	s20 =	simm.s32 @p2 $0x1;
	p2 =	sgt.s32 @!p1 s18, $0x17F  }
0x29: {  	s21 =	smov.u32 s18;
	s19 =	sxor.u32 @!p1 $0xFFFFFFFF, s19;
	p2 =	por !p2, p1  }
0x2a: {  	s18 =	sand.u32 @!p1 s22, s18;
	s19 =	sadd.s32 @!p1 s19, s20;
	s21 =	simm.s32 @p2 $0x17F  }
0x2b: {  	p3 =	por !p3, p1;
	p2 =	sgt.s32 @!p1 s19, $0x0;
	s18 =	ssub.s32 @!p1 s21, s18  }
0x2c: {  	s19 =	ssub.s32 @!p1 $0x1, s19;
	s21 =	smov.u32 s17;
	s20 =	sadd.s32 @!p1 $0xFFFFFE81, s18  }
0x2d: {  	s21 =	simm.s32 @p3 $0x100;
	p3 =	sgt.s32 @!p1 s20, $0x0;
	s20 =	sshra.s32 @!p1 s17, $0x1F  }
0x2e: {  	s19 =	smul.u32 @!p1 $0x60, s19;
	p2 =	por !p2, p1;
	s17 =	sand.u32 @!p1 s20, s17  }
0x2f: {  	s18 =	ssub.s32 @!p1 $0x180, s18;
	p3 =	por !p3, p1;
	s17 =	ssub.s32 @!p1 s21, s17  }
0x30: {  	s19 =	simm.s32 @!p2 $0x0;
	s18 =	simm.s32 @!p3 $0x0;
	s20 =	sadd.s32 @!p1 $0xFFFFFF00, s17  }
0x31: {  	s21 =	smov.u32 s14;
	s18 =	smul.u32 @!p1 s19, s18;
	p2 =	sgt.s32 @!p1 s20, $0x7F  }
0x32: {  	s17 =	ssub.s32 @!p1 $0x180, s17;
	s20 =	sadd.s32 $0x80, s13;
	p2 =	por !p2, p1  }
0x33: {  	s19 =	sadd.s32 $0x10, s14;
	s17 =	simm.s32 @!p2 $0x0;
	p2 =	sgt.s32 s20, $0x17F  }
0x34: {  	s22 =	smov.u32 s15;
	s21 =	smov.u32 @p2 s19  }
0x35: {  	s17 =	smul.u32 @!p1 s17, s18;
	s18 =	sadd.s32 $0x2, s15;
	p3 =	sgt.s32 s21, $0x17F  }
0x36: {  	p0 =	por !p0, !p0;
	s23 =	simm.s32 @!p1 $0x2;
	s22 =	smov.u32 @p3 s18  }
0x37: {  	s20 =	simm.s32 @p2 $0x0;
	s19 =	smov.u32 s12;
	p2 =	sgt.s32 s22, $0x1  }
0x38: {  	s12 =	smov.u32 s15;
	s22 =	smov.u32 @p2 s3;
	p2 =	sne.s32 s16, s8  }
.Ltmp1:
0x39: {  	s17 =	sand.u32 @!p1 $0x3FFFFFE0, s17;
	s21 =	smov.u32 @p3 s7;
	(pc) =	sbr.rel @!p2 .LBB1_6-.Ltmp1, $4  }
0x3a: {  	s18 =	smov.u32 s11;
	s11 =	smov.u32 s14;
	_ =	swait.ge @!p1 [sflag:s23], s17  }
0x3b: {  	s24 =	ssub.s32 @!p1 $0x0, s17;
	s17 =	smov.u32 s10;
	s10 =	smov.u32 s13  }
0x3c: {  	s13 =	smov.u32 s20;
	s14 =	smov.u32 s21;
	[sflag:s23] =	ssyncset.done @!p1 $0x0  }
0x3d: {  	s16 =	sadd.s32 $0x1, s16;
	[sflag:s23] =	ssyncadd.s32 @!p1 s24;
	s15 =	smov.u32 s22  }
.LBB1_1:
0x3e: {  	p1 =	sge.u32 s16, s6  }
0x3f: {  	s20 =	sand.u32 @!p1 $0x1FFFFFF, s13  }
0x40: {  	s21 =	smulhi.u32 @!p1 $0xAAAAAB, s20  }
0x41: {  	s22 =	smul.u32 @!p1 $0x240000, s15  }
0x42: {  	s21 =	smul.u32 @!p1 $0x180, s21  }
0x43: {  	s31 =	sadd.s32 $0xFFFFFFFF, s16;
	s23 =	smul.u32 @!p1 $0x1800, s14  }
0x44: {  	s22 =	sadd.s32 @!p1 s4, s22;
	s20 =	ssub.s32 @!p1 s20, s21;
	s21 =	sxor.u32 @!p1 $0xFFFFFFFF, s16  }
0x45: {  	s22 =	sadd.s32 @!p1 s23, s22;
	s21 =	sshll.u32 @!p1 s21, $0xE;
	s20 =	sshll.u32 @!p1 s20, $0x4  }
0x46: {  	s21 =	sand.u32 @!p1 $0x4000, s21;
	s20 =	sadd.s32 @!p1 s20, s22;
	s22 =	simm.s32 @!p1 $0x0  }
0x47: {  	[tilespmem:s21], [sflag:$0x1] =	stream.linear.gather @!p1 [hbm4b:s20+s22], $0x4000, $0x38;
	[tilespmem:$0x10100] =	vst v63  }
0x48: {  	p1 =	sge.u32 s31, s6  }
.Ltmp2:
0x49: {  	_ = 	snop;
	(pc) =	sbr.rel @p1 .LBB1_5-.Ltmp2, $1  }
0x4a: {  	_ =	sdelay $0x3  }
0x4b: {  	s20 =	simm.s32 $0x1  }
0x4c: {  	_ =	swait.ge [sflag:s5], $0x4000;
	s20 =	simm.s32 @!p0 $0x0  }
0x4d: {  	[sflag:s5] =	ssyncset.done $0x0;
	s21 =	sshll.u32 s20, $0xE  }
0x4e: {  	[sflag:s5] =	ssyncadd.s32 $0xFFFFC000;
	s21 =	sor.u32 $0x40, s21  }
0x4f: {  	s20 =	smul.u32 $0x10200, s20;
	v0 =	vld [tilespmem:s21+$0x30]  }
0x50: {  	v1 =	vld [tilespmem:s21+$0xFFFFFFD0]  }
0x51: {  	s20 =	sshrl.u32 s20, $0x2;
	v5 =	vld [tilespmem:s21+$0xFFFFFFE0]  }
0x52: {  	v6 =	vld [tilespmem:s21+$0xFFFFFFF0];
	s23 =	sor.u32 $0x8000, s20  }
0x53: {  	s31 =	sand.u32 $0x1, s16;
	v4 =	vld [tilespmem:s21+$0x0];
	s22 =	sadd.s32 $0x0, s23  }
0x54: {  	v3 =	vld [tilespmem:s21+$0x10];
	s20 =	smul.u32 $0x10200, s31;
	[tilespmem:s22+$0x3870 ss:$0x81] =	vst.msk $0xffff, v0  }
0x55: {  	v2 =	vld [tilespmem:s21+$0x20];
	[tilespmem:s22+$0x810 ss:$0x81] =	vst.msk $0xffff, v1  }
0x56: {  	s20 =	sshrl.u32 s20, $0x2;
	v1 =	vld [tilespmem:s21+$0xFFFFFFC0];
	[tilespmem:s22+$0x1020 ss:$0x81] =	vst.msk $0xffff, v5;
	s21 =	sadd.s32 $0x80, s21  }
0x57: {  	s24 =	simm.s32 $0x4;
	s25 =	simm.s32 $0x8;
	s20 =	sor.u32 $0x8000, s20;
	[tilespmem:s22+$0x1830 ss:$0x81] =	vst.msk $0xffff, v6;
	v0 =	vld [tilespmem:s21+$0x30]  }
.LBB1_3:
0x58: {  	p1 =	sne.s32 s25, $0x1FC;
	v5 =	vld [tilespmem:s21+$0xFFFFFFD0];
	[tilespmem:s22+$0x2040 ss:$0x81] =	vst.msk $0xffff, v4  }
0x59: {  	v6 =	vld [tilespmem:s21+$0xFFFFFFE0];
	[tilespmem:s22+$0x2850 ss:$0x81] =	vst.msk $0xffff, v3  }
0x5a: {  	s26 =	sshra.s32 s24, $0x2;
	s24 =	smov.u32 s25;
	v7 =	vld [tilespmem:s21+$0xFFFFFFF0];
	[tilespmem:s22+$0x3060 ss:$0x81] =	vst.msk $0xffff, v2  }
.Ltmp3:
0x5b: {  	v4 =	vld [tilespmem:s21+$0x0];
	[tilespmem:s22+$0x0 ss:$0x81] =	vst.msk $0xffff, v1;
	s22 =	sadd.s32 s26, s23;
	(pc) =	sbr.rel @p1 .LBB1_3-.Ltmp3, $4  }
0x5c: {  	v3 =	vld [tilespmem:s21+$0x10];
	[tilespmem:s22+$0x3870 ss:$0x81] =	vst.msk $0xffff, v0  }
0x5d: {  	[tilespmem:s22+$0x810 ss:$0x81] =	vst.msk $0xffff, v5;
	v2 =	vld [tilespmem:s21+$0x20]  }
0x5e: {  	v1 =	vld [tilespmem:s21+$0xFFFFFFC0];
	[tilespmem:s22+$0x1020 ss:$0x81] =	vst.msk $0xffff, v6;
	s21 =	sadd.s32 $0x80, s21  }
0x5f: {  	s25 =	sadd.s32 $0x4, s25;
	v0 =	vld [tilespmem:s21+$0x30];
	[tilespmem:s22+$0x1830 ss:$0x81] =	vst.msk $0xffff, v7  }
.Ltmp4:
0x60: {  	_ = 	snop;
	(pc) =	sbr.rel .LBB1_4-.Ltmp4, $1  }
0x61: {  	_ =	sdelay $0x3  }
.LBB1_6:
0x62: {  	_ =	sfence.sel $0x180000  }
0x63: {  	s2 =	simm.s32 $0x1;
	[bflag:$0x0] =	sbarrier.arrive $0xFFFF  }
0x64: {  	s31 =	simm.s32 $0x2;
	[sflag:s2] =	ssyncpa.u1 $0x1  }
0x65: {  	[sflag:s31] =	ssyncpa.u1 $0x1  }
0x66: {  	p0 =	sne.s32 s1, $0x0;
	_ =	strace $0x90000050  }
0x67: {  	s0 =	sadd.s32 @!p0 $0x100000, s0;
	[bflag:$0x2] =	sbarrier.arrive $0xFFFF  }
0x68: {  	[sflag:s0] =	ssyncadd.tile.s32 @!p0 $0x1;
	_ =	shalt  }
.Lfunc_end1:
_tile_overlayer_lowered:
.L_overlay_start_2:
0x69: {  	(tag) =	ssettag $0x2  }
0x6a: {  	s0 =	rddreg [dreg:$0x0];
	s2 =	stileid.u32  }
0x6b: {  	s1 =	rddreg [dreg:$0x1];
	p0 =	sne.s32 s2, $0x0  }
0x6c: {  	s3 =	rddreg [dreg:$0x2];
	[bflag:$0x3] =	sbarrier.arrive $0xFFFF;
	s2 =	simm.s32 @!p0 $0x1C01  }
0x6d: {  	[timem:s3], [sflag:s2] =	dma.local @!p0 [hbm:s0], s1  }
0x6e: {  	s0 =	simm.s32 @!p0 $0x1  }
0x6f: {  	_ =	swait.ge @!p0 [sflag:s0], s1  }
0x70: {  	s1 =	ssub.s32 @!p0 $0x0, s1;
	[sflag:s0] =	ssyncset.done @!p0 $0x0  }
0x71: {  	[sflag:s0] =	ssyncadd.s32 @!p0 s1  }
0x72: {  	[bflag:$0x3] =	sbarrier.arrive $0xFFFF  }
0x73: {  	_ =	shalt  }

</sc_bundles>
